<compile_context>
chip_gen: v7x
topology: tpu7x:2x2x1
jax: 0.10.2.dev20260603
libtpu: 0.0.44.dev20260713+nightly
codegen_flags: <defaults>
</compile_context>

<pallas_src>
import functools

import jax
import jax.numpy as jnp
from jax import lax
from jax.experimental import pallas as pl
from jax.experimental.pallas import tpu as pltpu
from jax.experimental.pallas import tpu_sc as plsc

NC = 2
NS = 16
L = 16
NW = NC * NS

NPAD = 10240
TAIL = 128

_SC_PARAMS = pltpu.CompilerParams(needs_layout_passes=False)
_SC_MESH = plsc.VectorSubcoreMesh(core_axis_name="c", subcore_axis_name="s")


def _worker(cid, sid):
    return sid * NC + cid


def _zero_acc(acc_ref, n):
    @plsc.parallel_loop(0, n // L, unroll=8)
    def _(i):
        acc_ref[pl.ds(i * L, L)] = jnp.zeros((L,), jnp.float32)


def _stage_edges(e_main, rem, wid, coef_hbm, he_hbm, coef_v, he_v,
                 coef_t, he_t, sem):
    base = wid * e_main
    descs = [pltpu.async_copy(coef_hbm.at[pl.ds(base, e_main)], coef_v, sem),
             pltpu.async_copy(he_hbm.at[:, pl.ds(base, e_main)], he_v, sem)]

    @pl.when(wid < rem)
    def _():
        tbase = NW * e_main + wid * TAIL
        d1 = pltpu.async_copy(coef_hbm.at[pl.ds(tbase, TAIL)], coef_t, sem)
        d2 = pltpu.async_copy(he_hbm.at[:, pl.ds(tbase, TAIL)], he_t, sem)
        d1.wait()
        d2.wait()

    @pl.when(wid >= rem)
    def _():
        for j in range(TAIL // L):
            coef_t[pl.ds(j * L, L)] = jnp.zeros((L,), jnp.float32)
            he_t[0, pl.ds(j * L, L)] = jnp.zeros((L,), jnp.int32)
            he_t[1, pl.ds(j * L, L)] = jnp.zeros((L,), jnp.int32)

    return descs


def _edges_loop(n_iters, coef_ref, he_ref, fn, need_row=True, unroll=4):
    @plsc.parallel_loop(0, n_iters, unroll=unroll)
    def _(i):
        c = coef_ref[pl.ds(i * L, L)]
        r = he_ref[0, pl.ds(i * L, L)] if need_row else None
        cl = he_ref[1, pl.ds(i * L, L)]
        fn(c, r, cl)


def _pass_a_body(e_main, rem, coef_hbm, he_hbm, sabs_out, csum_out,
                 coef_v, he_v, coef_t, he_t, acc_s, acc_c, sem):
    wid = _worker(lax.axis_index("c"), lax.axis_index("s"))
    descs = _stage_edges(e_main, rem, wid, coef_hbm, he_hbm, coef_v, he_v,
                         coef_t, he_t, sem)
    _zero_acc(acc_s, NPAD)
    _zero_acc(acc_c, NPAD)
    for d in descs:
        d.wait()

    def fn(c, r, cl):
        plsc.addupdate_scatter(acc_s, [cl], jnp.abs(c))
        plsc.addupdate_scatter(acc_c, [cl], c)

    _edges_loop(e_main // L, coef_v, he_v, fn, need_row=False)
    _edges_loop(TAIL // L, coef_t, he_t, fn, need_row=False)
    pltpu.sync_copy(acc_s, sabs_out.at[wid])
    pltpu.sync_copy(acc_c, csum_out.at[wid])


def _pass_b_body(e_main, rem, coef_hbm, he_hbm, inv_hbm, rhss_hbm,
                 sv_out, u_out, coef_v, he_v, coef_t, he_t, inv_v, rhss_v,
                 acc_sv, acc_u, sem):
    wid = _worker(lax.axis_index("c"), lax.axis_index("s"))
    descs = _stage_edges(e_main, rem, wid, coef_hbm, he_hbm, coef_v, he_v,
                         coef_t, he_t, sem)
    descs.append(pltpu.async_copy(inv_hbm, inv_v, sem))
    descs.append(pltpu.async_copy(rhss_hbm, rhss_v, sem))
    _zero_acc(acc_sv, NPAD)
    _zero_acc(acc_u, NPAD)
    for d in descs:
        d.wait()

    def fn(c, r, cl):
        scaled = c * plsc.load_gather(inv_v, [cl])
        plsc.addupdate_scatter(acc_sv, [r], scaled)
        plsc.addupdate_scatter(acc_u, [r],
                               scaled * plsc.load_gather(rhss_v, [cl]))

    _edges_loop(e_main // L, coef_v, he_v, fn)
    _edges_loop(TAIL // L, coef_t, he_t, fn)
    pltpu.sync_copy(acc_sv, sv_out.at[wid])
    pltpu.sync_copy(acc_u, u_out.at[wid])


def _pass_c_body(e_main, rem, coef_hbm, he_hbm, xv0_hbm, v_out,
                 coef_v, he_v, coef_t, he_t, xv0_v, acc_v, sem):
    wid = _worker(lax.axis_index("c"), lax.axis_index("s"))
    descs = _stage_edges(e_main, rem, wid, coef_hbm, he_hbm, coef_v, he_v,
                         coef_t, he_t, sem)
    descs.append(pltpu.async_copy(xv0_hbm, xv0_v, sem))
    _zero_acc(acc_v, NPAD)
    for d in descs:
        d.wait()

    def fn(c, r, cl):
        plsc.addupdate_scatter(acc_v, [cl], c * plsc.load_gather(xv0_v, [r]))

    _edges_loop(e_main // L, coef_v, he_v, fn)
    _edges_loop(TAIL // L, coef_t, he_t, fn)
    pltpu.sync_copy(acc_v, v_out.at[wid])


def _make_sc_kernels(e_main, rem):
    f32 = jnp.float32
    i32 = jnp.int32
    edge_scratch = [
        pltpu.VMEM((e_main,), f32),
        pltpu.VMEM((2, e_main), i32),
        pltpu.VMEM((TAIL,), f32),
        pltpu.VMEM((2, TAIL), i32),
    ]
    pass_a = pl.kernel(
        functools.partial(_pass_a_body, e_main, rem),
        out_type=[jax.ShapeDtypeStruct((NW, NPAD), f32)] * 2,
        mesh=_SC_MESH,
        compiler_params=_SC_PARAMS,
        scratch_types=edge_scratch + [
            pltpu.VMEM((NPAD,), f32),
            pltpu.VMEM((NPAD,), f32),
            pltpu.SemaphoreType.DMA,
        ],
        name="gnn_milp_pass_a",
    )
    pass_b = pl.kernel(
        functools.partial(_pass_b_body, e_main, rem),
        out_type=[jax.ShapeDtypeStruct((NW, NPAD), f32)] * 2,
        mesh=_SC_MESH,
        compiler_params=_SC_PARAMS,
        scratch_types=edge_scratch + [
            pltpu.VMEM((NPAD,), f32),
            pltpu.VMEM((NPAD,), f32),
            pltpu.VMEM((NPAD,), f32),
            pltpu.VMEM((NPAD,), f32),
            pltpu.SemaphoreType.DMA,
        ],
        name="gnn_milp_pass_b",
    )
    pass_c = pl.kernel(
        functools.partial(_pass_c_body, e_main, rem),
        out_type=[jax.ShapeDtypeStruct((NW, NPAD), f32)],
        mesh=_SC_MESH,
        compiler_params=_SC_PARAMS,
        scratch_types=edge_scratch + [
            pltpu.VMEM((NPAD,), f32),
            pltpu.VMEM((NPAD,), f32),
            pltpu.SemaphoreType.DMA,
        ],
        name="gnn_milp_pass_c",
    )
    return pass_a, pass_b, pass_c


def _safe_recip(s):
    inv = 1.0 / s
    return jnp.where(jnp.isinf(inv), 0.0, inv)


def _g1_body(sabs_ref, csum_ref, rhs_ref, inv_ref, t2_ref, rhss_ref):
    s = jnp.sum(sabs_ref[...], axis=0, keepdims=True)
    cs = jnp.sum(csum_ref[...], axis=0, keepdims=True)
    inv = _safe_recip(s)
    inv_ref[...] = inv
    t2_ref[...] = inv * cs
    rhss_ref[...] = inv * rhs_ref[...]


def _g2_body(sv_ref, u_ref, invv_ref, xv0_ref):
    s = jnp.sum(sv_ref[...], axis=0, keepdims=True)
    u = jnp.sum(u_ref[...], axis=0, keepdims=True)
    inv = _safe_recip(s)
    invv_ref[...] = inv
    xv0_ref[...] = inv * u


def _outer(s, vec):
    return lax.dot_general(s, vec, (((0,), (0,)), ((), ())),
                           preferred_element_type=jnp.float32)


def _emb_body(n, rhss_ref, w_ref, b_ref, emb_ref):
    emb_ref[...] = _outer(rhss_ref[0:1, :n], w_ref[...]) + b_ref[...]


def _final_body(n, v_ref, inv_ref, xv0_ref, invv_ref, t2_ref, rhss_ref,
                wc_ref, bc_ref, w_ref, b_ref, xvar_ref, xconst_ref):
    w = w_ref[...]
    b = b_ref[...]
    v = jnp.sum(v_ref[...], axis=0, keepdims=True)
    t1 = inv_ref[...] * v
    m1 = jnp.sum(t1) / n
    m2 = jnp.sum(t2_ref[...]) / n
    srhs = jnp.sum(rhss_ref[...])
    mean_vec = m1 * w + m2 * b
    aggr = lax.dot_general(mean_vec, wc_ref[...],
                           (((1,), (1,)), ((), ()))) + bc_ref[...]
    rv = (srhs * w + b) - aggr
    nn = int(n)
    xvar_ref[...] = (_outer(invv_ref[0:1, :nn], rv * w)
                     + _outer(xv0_ref[0:1, :nn], w) + (rv * b + b))
    xconst_ref[...] = (_outer(t1[0:1, :nn], w)
                      + _outer(t2_ref[0:1, :nn], b))


def kernel(hyperedge_index, coef, rhs, W_rhs, b_rhs, W_c, b_c):
    f32 = jnp.float32
    nnz = coef.shape[0]
    n = rhs.shape[0]
    D = W_rhs.shape[0]
    ntiles = nnz // TAIL
    e_main = (ntiles // NW) * TAIL
    rem = ntiles % NW
    assert nnz % TAIL == 0 and rem < NW and n <= NPAD

    he = hyperedge_index.astype(jnp.int32)
    coef = coef.astype(f32)

    pass_a, pass_b, pass_c = _make_sc_kernels(e_main, rem)

    sabs_p, csum_p = pass_a(coef, he)
    rhs_pad = jnp.pad(rhs[:, 0].astype(f32), (0, NPAD - n)).reshape(1, NPAD)
    inv_sc, t2, rhs_s = pl.pallas_call(
        _g1_body,
        out_shape=[jax.ShapeDtypeStruct((1, NPAD), f32)] * 3,
    )(sabs_p, csum_p, rhs_pad)

    w = W_rhs[:, 0].astype(f32).reshape(1, D)
    b = b_rhs.astype(f32).reshape(1, D)

    emb = pl.pallas_call(
        functools.partial(_emb_body, n),
        out_shape=jax.ShapeDtypeStruct((n, D), f32),
    )(rhs_s, w, b)

    sv_p, u_p = pass_b(coef, he, inv_sc.reshape(NPAD), rhs_s.reshape(NPAD))
    inv_sv, xv0 = pl.pallas_call(
        _g2_body,
        out_shape=[jax.ShapeDtypeStruct((1, NPAD), f32)] * 2,
    )(sv_p, u_p)

    (v_p,) = pass_c(coef, he, xv0.reshape(NPAD))
    xvar, xconst = pl.pallas_call(
        functools.partial(_final_body, float(n)),
        out_shape=[jax.ShapeDtypeStruct((n, D), f32)] * 2,
    )(v_p, inv_sc, xv0, inv_sv, t2, rhs_s, W_c.astype(f32),
      b_c.astype(f32).reshape(1, D), w, b)

    return (xvar, xconst, emb)

# --- scband reference (transcript-rebuilt; emitter-appended) ---
"""Pipeline reference for scband-gnnpolicy-milp-63007170232493 (READ-ONLY COPY).

The authoritative reference and input builder live on the scoring server;
editing this copy changes nothing except your own understanding.
"""

import jax, jax.numpy as jnp
import numpy as np

N_NODES = 10000   # variables
N_CONS = 10000    # constraints (hyperedges)
NNZ = 320000
D = 128


def setup_inputs(seed: int = 0) -> dict:
    rng = np.random.default_rng(0)
    # unique (row, col) pairs so torch_sparse.coalesce(op='mean') is an order-only op
    lin = rng.choice(N_NODES * N_CONS, size=NNZ, replace=False)
    row = (lin // N_CONS).astype(np.int64)
    col = (lin % N_CONS).astype(np.int64)
    # guarantee max indices are present so num_nodes/num_edges are exact
    row[-1] = N_NODES - 1
    col[-1] = N_CONS - 1
    hyperedge_index = jnp.asarray(np.stack([row, col], axis=0))

    key = jax.random.key(seed)
    k1, k2, k3, k4 = jax.random.split(key, 4)
    coef = jax.random.normal(k1, (NNZ,), dtype=jnp.float32)
    rhs = jax.random.normal(k2, (N_CONS, 1), dtype=jnp.float32)
    # rhs_emb = Linear(1, D)
    W_rhs = jax.random.normal(k3, (D, 1), dtype=jnp.float32) * float(np.sqrt(6.0 / (1 + D)))
    b_rhs = jnp.zeros((D,), dtype=jnp.float32)
    # lin_c = Linear(D, D)
    W_c = jax.random.normal(k4, (D, D), dtype=jnp.float32) * float(np.sqrt(6.0 / (D + D)))
    b_c = jnp.zeros((D,), dtype=jnp.float32)
    return {"hyperedge_index": hyperedge_index, "coef": coef, "rhs": rhs,
            "W_rhs": W_rhs, "b_rhs": b_rhs, "W_c": W_c, "b_c": b_c}


def reference(hyperedge_index, coef, rhs, W_rhs, b_rhs, W_c, b_c):
    row = hyperedge_index[0]
    col = hyperedge_index[1]
    num_nodes = row.max() + 1
    num_edges = col.max() + 1

    # coalesce (inputs are unique pairs -> sort by row-major linear index)
    order = jnp.argsort(row * num_edges + col)
    row = row[order]
    col = col[order]
    coef = coef[order]

    # column (constraint) scaling
    s_c = jax.ops.segment_sum(jnp.abs(coef), col, num_segments=N_CONS)
    inv_s_c = 1.0 / s_c
    inv_s_c = jnp.where(jnp.isinf(inv_s_c), 0.0, inv_s_c)

    # spspmm(A, diag(inv_s_c)) == scale each column's coefficients
    scaled_coef = coef * inv_s_c[col]

    # rhs[:, [-1]] = inv_s_c[:, None] * rhs[:, [-1]]
    rhs = rhs.at[:, -1].set(inv_s_c * rhs[:, -1])

    def rhs_emb(x):
        return x @ W_rhs.T + b_rhs

    emb_rhs = rhs_emb(rhs)

    # row (variable) scaling
    s_v = jax.ops.segment_sum(scaled_coef, row, num_segments=N_NODES)
    inv_s_v = 1.0 / s_v
    inv_s_v = jnp.where(jnp.isinf(inv_s_v), 0.0, inv_s_v)

    # x_var = propagate(flip(index), size=(num_edges, num_nodes), x=rhs, coef=scaled_coef, scaling=inv_s_v) with out_channels=1
    msg = scaled_coef * inv_s_v[row] * rhs[col, 0]
    x_var0 = jax.ops.segment_sum(msg, row, num_segments=N_NODES)[:, None]
    x_var = rhs_emb(x_var0)

    # x_const = propagate(index, size=(num_nodes, num_edges), x=x_var, coef=scaled_coef)
    x_const = jax.ops.segment_sum(scaled_coef[:, None] * x_var[row], col, num_segments=N_CONS)

    sum_rhs = rhs_emb(jnp.sum(rhs).reshape(1, 1))
    aggr_const = x_const.mean(axis=0) @ W_c.T + b_c
    rhs_ = sum_rhs - aggr_const
    rhs_ = rhs_ * rhs_emb(inv_s_v[:, None])
    x_var = rhs_ + x_var
    return (x_var, x_const, emb_rhs)

if __name__ == "__main__":
    import jax
    _d = setup_inputs()
    print(jax.jit(kernel)(*tuple(_d.values())))

</pallas_src>

<mosaic_0001>
#map = affine_map<(d0, d1) -> (0)>
#map1 = affine_map<(d0, d1) -> (0, 0)>
module attributes {stable_mosaic.version = 14 : i64} {
  func.func @gnn_milp_pass_a(%arg0: i32, %arg1: i32, %arg2: memref<320000xf32, #tpu.memory_space<hbm>>, %arg3: memref<2x320000xi32, #tpu.memory_space<hbm>>, %arg4: memref<32x10240xf32, #tpu.memory_space<hbm>>, %arg5: memref<32x10240xf32, #tpu.memory_space<hbm>>, %arg6: memref<9984xf32, #tpu.memory_space<vmem>>, %arg7: memref<2x9984xi32, #tpu.memory_space<vmem>>, %arg8: memref<128xf32, #tpu.memory_space<vmem>>, %arg9: memref<2x128xi32, #tpu.memory_space<vmem>>, %arg10: memref<10240xf32, #tpu.memory_space<vmem>>, %arg11: memref<10240xf32, #tpu.memory_space<vmem>>, %arg12: memref<!tpu.dma_semaphore, #tpu.memory_space<semaphore_mem>>) attributes {dimension_semantics = [#tpu.dimension_semantics<core_parallel>, #tpu.dimension_semantics<subcore_parallel>], iteration_bounds = array<i64: 2, 16>, scalar_prefetch = 0 : i64, scratch_operands = 7 : i64, tpu.core_type = #tpu.core_type<sc_vector_subcore>, window_params = [{transform_indices = #map}, {transform_indices = #map1}, {transform_indices = #map1}, {transform_indices = #map1}]} {
    %mul3A = arith.constant 2 : i32
    %mul3A_0 = arith.muli %arg1, %mul3A : i32
    %add3A = arith.addi %mul3A_0, %arg0 : i32
    %mul3A_1 = arith.constant 9984 : i32
    %mul3A_2 = arith.muli %add3A, %mul3A_1 : i32
    %dma_start3A = tpu.memref_slice %arg2[%mul3A_2] : memref<320000xf32, #tpu.memory_space<hbm>> -> memref<9984xf32, #tpu.memory_space<hbm>>
    %dma_start3A_3 = tpu.memref_slice %arg2[%mul3A_2] : memref<320000xf32, #tpu.memory_space<hbm>> -> memref<9984xf32, #tpu.memory_space<hbm>>
    tpu.enqueue_dma source(%dma_start3A_3 : memref<9984xf32, #tpu.memory_space<hbm>>) target(%arg6 : memref<9984xf32, #tpu.memory_space<vmem>>) target_semaphore(%arg12 : memref<!tpu.dma_semaphore, #tpu.memory_space<semaphore_mem>>)
    %dma_start3A_4 = arith.constant 0 : i32
    %dma_start3A_5 = tpu.memref_slice %arg3[%dma_start3A_4, %mul3A_2] : memref<2x320000xi32, #tpu.memory_space<hbm>> -> memref<2x9984xi32, #tpu.memory_space<hbm>>
    %dma_start3A_6 = arith.constant 0 : i32
    %dma_start3A_7 = tpu.memref_slice %arg3[%dma_start3A_6, %mul3A_2] : memref<2x320000xi32, #tpu.memory_space<hbm>> -> memref<2x9984xi32, #tpu.memory_space<hbm>>
    tpu.enqueue_dma source(%dma_start3A_7 : memref<2x9984xi32, #tpu.memory_space<hbm>>) target(%arg7 : memref<2x9984xi32, #tpu.memory_space<vmem>>) target_semaphore(%arg12 : memref<!tpu.dma_semaphore, #tpu.memory_space<semaphore_mem>>)
    %lt3A = arith.constant 4 : i32
    %lt3A_8 = arith.cmpi slt, %add3A, %lt3A : i32
    %convert_element_type3A = arith.extui %lt3A_8 : i1 to i32
    %cond3A = arith.constant 0 : i32
    %cond3A_9 = arith.cmpi ne, %convert_element_type3A, %cond3A : i32
    scf.if %cond3A_9 {
      %mul3A_30 = arith.constant 128 : i32
      %mul3A_31 = arith.muli %add3A, %mul3A_30 : i32
      %add3A_32 = arith.constant 319488 : i32
      %add3A_33 = arith.addi %add3A_32, %mul3A_31 : i32
      %dma_start3A_34 = tpu.memref_slice %arg2[%add3A_33] : memref<320000xf32, #tpu.memory_space<hbm>> -> memref<128xf32, #tpu.memory_space<hbm>>
      %dma_start3A_35 = tpu.memref_slice %arg2[%add3A_33] : memref<320000xf32, #tpu.memory_space<hbm>> -> memref<128xf32, #tpu.memory_space<hbm>>
      tpu.enqueue_dma source(%dma_start3A_35 : memref<128xf32, #tpu.memory_space<hbm>>) target(%arg8 : memref<128xf32, #tpu.memory_space<vmem>>) target_semaphore(%arg12 : memref<!tpu.dma_semaphore, #tpu.memory_space<semaphore_mem>>)
      %dma_start3A_36 = arith.constant 0 : i32
      %dma_start3A_37 = tpu.memref_slice %arg3[%dma_start3A_36, %add3A_33] : memref<2x320000xi32, #tpu.memory_space<hbm>> -> memref<2x128xi32, #tpu.memory_space<hbm>>
      %dma_start3A_38 = arith.constant 0 : i32
      %dma_start3A_39 = tpu.memref_slice %arg3[%dma_start3A_38, %add3A_33] : memref<2x320000xi32, #tpu.memory_space<hbm>> -> memref<2x128xi32, #tpu.memory_space<hbm>>
      tpu.enqueue_dma source(%dma_start3A_39 : memref<2x128xi32, #tpu.memory_space<hbm>>) target(%arg9 : memref<2x128xi32, #tpu.memory_space<vmem>>) target_semaphore(%arg12 : memref<!tpu.dma_semaphore, #tpu.memory_space<semaphore_mem>>)
      %dma_wait3A_40 = tpu.memref_slice %arg2[%add3A_33] : memref<320000xf32, #tpu.memory_space<hbm>> -> memref<128xf32, #tpu.memory_space<hbm>>
      %dma_wait3A_41 = tpu.memref_slice %arg2[%add3A_33] : memref<320000xf32, #tpu.memory_space<hbm>> -> memref<128xf32, #tpu.memory_space<hbm>>
      tpu.wait_dma2 semaphore(%arg12 : memref<!tpu.dma_semaphore, #tpu.memory_space<semaphore_mem>>) src(%dma_wait3A_41 : memref<128xf32, #tpu.memory_space<hbm>>) dst(%arg8 : memref<128xf32, #tpu.memory_space<vmem>>)
      %dma_wait3A_42 = arith.constant 0 : i32
      %dma_wait3A_43 = tpu.memref_slice %arg3[%dma_wait3A_42, %add3A_33] : memref<2x320000xi32, #tpu.memory_space<hbm>> -> memref<2x128xi32, #tpu.memory_space<hbm>>
      %dma_wait3A_44 = arith.constant 0 : i32
      %dma_wait3A_45 = tpu.memref_slice %arg3[%dma_wait3A_44, %add3A_33] : memref<2x320000xi32, #tpu.memory_space<hbm>> -> memref<2x128xi32, #tpu.memory_space<hbm>>
      tpu.wait_dma2 semaphore(%arg12 : memref<!tpu.dma_semaphore, #tpu.memory_space<semaphore_mem>>) src(%dma_wait3A_45 : memref<2x128xi32, #tpu.memory_space<hbm>>) dst(%arg9 : memref<2x128xi32, #tpu.memory_space<vmem>>)
    } else {
    }
    %ge3A = arith.constant 4 : i32
    %ge3A_10 = arith.cmpi sge, %add3A, %ge3A : i32
    %convert_element_type3A_11 = arith.extui %ge3A_10 : i1 to i32
    %cond3A_12 = arith.constant 0 : i32
    %cond3A_13 = arith.cmpi ne, %convert_element_type3A_11, %cond3A_12 : i32
    scf.if %cond3A_13 {
      %broadcast_in_dim3A = arith.constant 0.000000e+00 : f32
      %broadcast_in_dim3A_30 = vector.broadcast %broadcast_in_dim3A : f32 to vector<16xf32>
      %swap3A = arith.constant 0 : index
      %swap3A_31 = tpu.vector_load %arg8[%swap3A] {strides = array<i32>} : memref<128xf32, #tpu.memory_space<vmem>>, vector<16xf32>,
      tpu.vector_store %arg8[%swap3A], %broadcast_in_dim3A_30 {strides = array<i32>} : memref<128xf32, #tpu.memory_space<vmem>>, vector<16xf32>,
      %broadcast_in_dim3A_32 = arith.constant 0 : i32
      %broadcast_in_dim3A_33 = vector.broadcast %broadcast_in_dim3A_32 : i32 to vector<16xi32>
      %swap3A_34 = arith.constant 0 : i32
      %swap3A_35 = arith.index_cast %swap3A_34 : i32 to index
      %swap3A_36 = arith.constant 0 : index
      %swap3A_37 = tpu.vector_load %arg9[%swap3A_35, %swap3A_36] {strides = array<i32>} : memref<2x128xi32, #tpu.memory_space<vmem>>, vector<16xi32>,
      tpu.vector_store %arg9[%swap3A_35, %swap3A_36], %broadcast_in_dim3A_33 {strides = array<i32>} : memref<2x128xi32, #tpu.memory_space<vmem>>, vector<16xi32>,
      %broadcast_in_dim3A_38 = arith.constant 0 : i32
      %broadcast_in_dim3A_39 = vector.broadcast %broadcast_in_dim3A_38 : i32 to vector<16xi32>
      %swap3A_40 = arith.constant 1 : i32
      %swap3A_41 = arith.index_cast %swap3A_40 : i32 to index
      %swap3A_42 = arith.constant 0 : index
      %swap3A_43 = tpu.vector_load %arg9[%swap3A_41, %swap3A_42] {strides = array<i32>} : memref<2x128xi32, #tpu.memory_space<vmem>>, vector<16xi32>,
      tpu.vector_store %arg9[%swap3A_41, %swap3A_42], %broadcast_in_dim3A_39 {strides = array<i32>} : memref<2x128xi32, #tpu.memory_space<vmem>>, vector<16xi32>,
      %broadcast_in_dim3A_44 = arith.constant 0.000000e+00 : f32
      %broadcast_in_dim3A_45 = vector.broadcast %broadcast_in_dim3A_44 : f32 to vector<16xf32>
      %swap3A_46 = arith.constant 16 : index
      %swap3A_47 = tpu.vector_load %arg8[%swap3A_46] {strides = array<i32>} : memref<128xf32, #tpu.memory_space<vmem>>, vector<16xf32>,
      tpu.vector_store %arg8[%swap3A_46], %broadcast_in_dim3A_45 {strides = array<i32>} : memref<128xf32, #tpu.memory_space<vmem>>, vector<16xf32>,
      %broadcast_in_dim3A_48 = arith.constant 0 : i32
      %broadcast_in_dim3A_49 = vector.broadcast %broadcast_in_dim3A_48 : i32 to vector<16xi32>
      %swap3A_50 = arith.constant 0 : i32
      %swap3A_51 = arith.index_cast %swap3A_50 : i32 to index
      %swap3A_52 = arith.constant 16 : index
      %swap3A_53 = tpu.vector_load %arg9[%swap3A_51, %swap3A_52] {strides = array<i32>} : memref<2x128xi32, #tpu.memory_space<vmem>>, vector<16xi32>,
      tpu.vector_store %arg9[%swap3A_51, %swap3A_52], %broadcast_in_dim3A_49 {strides = array<i32>} : memref<2x128xi32, #tpu.memory_space<vmem>>, vector<16xi32>,
      %broadcast_in_dim3A_54 = arith.constant 0 : i32
      %broadcast_in_dim3A_55 = vector.broadcast %broadcast_in_dim3A_54 : i32 to vector<16xi32>
      %swap3A_56 = arith.constant 1 : i32
      %swap3A_57 = arith.index_cast %swap3A_56 : i32 to index
      %swap3A_58 = arith.constant 16 : index
      %swap3A_59 = tpu.vector_load %arg9[%swap3A_57, %swap3A_58] {strides = array<i32>} : memref<2x128xi32, #tpu.memory_space<vmem>>, vector<16xi32>,
      tpu.vector_store %arg9[%swap3A_57, %swap3A_58], %broadcast_in_dim3A_55 {strides = array<i32>} : memref<2x128xi32, #tpu.memory_space<vmem>>, vector<16xi32>,
      %broadcast_in_dim3A_60 = arith.constant 0.000000e+00 : f32
      %broadcast_in_dim3A_61 = vector.broadcast %broadcast_in_dim3A_60 : f32 to vector<16xf32>
      %swap3A_62 = arith.constant 32 : index
      %swap3A_63 = tpu.vector_load %arg8[%swap3A_62] {strides = array<i32>} : memref<128xf32, #tpu.memory_space<vmem>>, vector<16xf32>,
      tpu.vector_store %arg8[%swap3A_62], %broadcast_in_dim3A_61 {strides = array<i32>} : memref<128xf32, #tpu.memory_space<vmem>>, vector<16xf32>,
      %broadcast_in_dim3A_64 = arith.constant 0 : i32
      %broadcast_in_dim3A_65 = vector.broadcast %broadcast_in_dim3A_64 : i32 to vector<16xi32>
      %swap3A_66 = arith.constant 0 : i32
      %swap3A_67 = arith.index_cast %swap3A_66 : i32 to index
      %swap3A_68 = arith.constant 32 : index
      %swap3A_69 = tpu.vector_load %arg9[%swap3A_67, %swap3A_68] {strides = array<i32>} : memref<2x128xi32, #tpu.memory_space<vmem>>, vector<16xi32>,
      tpu.vector_store %arg9[%swap3A_67, %swap3A_68], %broadcast_in_dim3A_65 {strides = array<i32>} : memref<2x128xi32, #tpu.memory_space<vmem>>, vector<16xi32>,
      %broadcast_in_dim3A_70 = arith.constant 0 : i32
      %broadcast_in_dim3A_71 = vector.broadcast %broadcast_in_dim3A_70 : i32 to vector<16xi32>
      %swap3A_72 = arith.constant 1 : i32
      %swap3A_73 = arith.index_cast %swap3A_72 : i32 to index
      %swap3A_74 = arith.constant 32 : index
      %swap3A_75 = tpu.vector_load %arg9[%swap3A_73, %swap3A_74] {strides = array<i32>} : memref<2x128xi32, #tpu.memory_space<vmem>>, vector<16xi32>,
      tpu.vector_store %arg9[%swap3A_73, %swap3A_74], %broadcast_in_dim3A_71 {strides = array<i32>} : memref<2x128xi32, #tpu.memory_space<vmem>>, vector<16xi32>,
      %broadcast_in_dim3A_76 = arith.constant 0.000000e+00 : f32
      %broadcast_in_dim3A_77 = vector.broadcast %broadcast_in_dim3A_76 : f32 to vector<16xf32>
      %swap3A_78 = arith.constant 48 : index
      %swap3A_79 = tpu.vector_load %arg8[%swap3A_78] {strides = array<i32>} : memref<128xf32, #tpu.memory_space<vmem>>, vector<16xf32>,
      tpu.vector_store %arg8[%swap3A_78], %broadcast_in_dim3A_77 {strides = array<i32>} : memref<128xf32, #tpu.memory_space<vmem>>, vector<16xf32>,
      %broadcast_in_dim3A_80 = arith.constant 0 : i32
      %broadcast_in_dim3A_81 = vector.broadcast %broadcast_in_dim3A_80 : i32 to vector<16xi32>
      %swap3A_82 = arith.constant 0 : i32
      %swap3A_83 = arith.index_cast %swap3A_82 : i32 to index
      %swap3A_84 = arith.constant 48 : index
      %swap3A_85 = tpu.vector_load %arg9[%swap3A_83, %swap3A_84] {strides = array<i32>} : memref<2x128xi32, #tpu.memory_space<vmem>>, vector<16xi32>,
      tpu.vector_store %arg9[%swap3A_83, %swap3A_84], %broadcast_in_dim3A_81 {strides = array<i32>} : memref<2x128xi32, #tpu.memory_space<vmem>>, vector<16xi32>,
      %broadcast_in_dim3A_86 = arith.constant 0 : i32
      %broadcast_in_dim3A_87 = vector.broadcast %broadcast_in_dim3A_86 : i32 to vector<16xi32>
      %swap3A_88 = arith.constant 1 : i32
      %swap3A_89 = arith.index_cast %swap3A_88 : i32 to index
      %swap3A_90 = arith.constant 48 : index
      %swap3A_91 = tpu.vector_load %arg9[%swap3A_89, %swap3A_90] {strides = array<i32>} : memref<2x128xi32, #tpu.memory_space<vmem>>, vector<16xi32>,
      tpu.vector_store %arg9[%swap3A_89, %swap3A_90], %broadcast_in_dim3A_87 {strides = array<i32>} : memref<2x128xi32, #tpu.memory_space<vmem>>, vector<16xi32>,
      %broadcast_in_dim3A_92 = arith.constant 0.000000e+00 : f32
      %broadcast_in_dim3A_93 = vector.broadcast %broadcast_in_dim3A_92 : f32 to vector<16xf32>
      %swap3A_94 = arith.constant 64 : index
      %swap3A_95 = tpu.vector_load %arg8[%swap3A_94] {strides = array<i32>} : memref<128xf32, #tpu.memory_space<vmem>>, vector<16xf32>,
      tpu.vector_store %arg8[%swap3A_94], %broadcast_in_dim3A_93 {strides = array<i32>} : memref<128xf32, #tpu.memory_space<vmem>>, vector<16xf32>,
      %broadcast_in_dim3A_96 = arith.constant 0 : i32
      %broadcast_in_dim3A_97 = vector.broadcast %broadcast_in_dim3A_96 : i32 to vector<16xi32>
      %swap3A_98 = arith.constant 0 : i32
      %swap3A_99 = arith.index_cast %swap3A_98 : i32 to index
      %swap3A_100 = arith.constant 64 : index
      %swap3A_101 = tpu.vector_load %arg9[%swap3A_99, %swap3A_100] {strides = array<i32>} : memref<2x128xi32, #tpu.memory_space<vmem>>, vector<16xi32>,
      tpu.vector_store %arg9[%swap3A_99, %swap3A_100], %broadcast_in_dim3A_97 {strides = array<i32>} : memref<2x128xi32, #tpu.memory_space<vmem>>, vector<16xi32>,
      %broadcast_in_dim3A_102 = arith.constant 0 : i32
      %broadcast_in_dim3A_103 = vector.broadcast %broadcast_in_dim3A_102 : i32 to vector<16xi32>
      %swap3A_104 = arith.constant 1 : i32
      %swap3A_105 = arith.index_cast %swap3A_104 : i32 to index
      %swap3A_106 = arith.constant 64 : index
      %swap3A_107 = tpu.vector_load %arg9[%swap3A_105, %swap3A_106] {strides = array<i32>} : memref<2x128xi32, #tpu.memory_space<vmem>>, vector<16xi32>,
      tpu.vector_store %arg9[%swap3A_105, %swap3A_106], %broadcast_in_dim3A_103 {strides = array<i32>} : memref<2x128xi32, #tpu.memory_space<vmem>>, vector<16xi32>,
      %broadcast_in_dim3A_108 = arith.constant 0.000000e+00 : f32
      %broadcast_in_dim3A_109 = vector.broadcast %broadcast_in_dim3A_108 : f32 to vector<16xf32>
      %swap3A_110 = arith.constant 80 : index
      %swap3A_111 = tpu.vector_load %arg8[%swap3A_110] {strides = array<i32>} : memref<128xf32, #tpu.memory_space<vmem>>, vector<16xf32>,
      tpu.vector_store %arg8[%swap3A_110], %broadcast_in_dim3A_109 {strides = array<i32>} : memref<128xf32, #tpu.memory_space<vmem>>, vector<16xf32>,
      %broadcast_in_dim3A_112 = arith.constant 0 : i32
      %broadcast_in_dim3A_113 = vector.broadcast %broadcast_in_dim3A_112 : i32 to vector<16xi32>
      %swap3A_114 = arith.constant 0 : i32
      %swap3A_115 = arith.index_cast %swap3A_114 : i32 to index
      %swap3A_116 = arith.constant 80 : index
      %swap3A_117 = tpu.vector_load %arg9[%swap3A_115, %swap3A_116] {strides = array<i32>} : memref<2x128xi32, #tpu.memory_space<vmem>>, vector<16xi32>,
      tpu.vector_store %arg9[%swap3A_115, %swap3A_116], %broadcast_in_dim3A_113 {strides = array<i32>} : memref<2x128xi32, #tpu.memory_space<vmem>>, vector<16xi32>,
      %broadcast_in_dim3A_118 = arith.constant 0 : i32
      %broadcast_in_dim3A_119 = vector.broadcast %broadcast_in_dim3A_118 : i32 to vector<16xi32>
      %swap3A_120 = arith.constant 1 : i32
      %swap3A_121 = arith.index_cast %swap3A_120 : i32 to index
      %swap3A_122 = arith.constant 80 : index
      %swap3A_123 = tpu.vector_load %arg9[%swap3A_121, %swap3A_122] {strides = array<i32>} : memref<2x128xi32, #tpu.memory_space<vmem>>, vector<16xi32>,
      tpu.vector_store %arg9[%swap3A_121, %swap3A_122], %broadcast_in_dim3A_119 {strides = array<i32>} : memref<2x128xi32, #tpu.memory_space<vmem>>, vector<16xi32>,
      %broadcast_in_dim3A_124 = arith.constant 0.000000e+00 : f32
      %broadcast_in_dim3A_125 = vector.broadcast %broadcast_in_dim3A_124 : f32 to vector<16xf32>
      %swap3A_126 = arith.constant 96 : index
      %swap3A_127 = tpu.vector_load %arg8[%swap3A_126] {strides = array<i32>} : memref<128xf32, #tpu.memory_space<vmem>>, vector<16xf32>,
      tpu.vector_store %arg8[%swap3A_126], %broadcast_in_dim3A_125 {strides = array<i32>} : memref<128xf32, #tpu.memory_space<vmem>>, vector<16xf32>,
      %broadcast_in_dim3A_128 = arith.constant 0 : i32
      %broadcast_in_dim3A_129 = vector.broadcast %broadcast_in_dim3A_128 : i32 to vector<16xi32>
      %swap3A_130 = arith.constant 0 : i32
      %swap3A_131 = arith.index_cast %swap3A_130 : i32 to index
      %swap3A_132 = arith.constant 96 : index
      %swap3A_133 = tpu.vector_load %arg9[%swap3A_131, %swap3A_132] {strides = array<i32>} : memref<2x128xi32, #tpu.memory_space<vmem>>, vector<16xi32>,
      tpu.vector_store %arg9[%swap3A_131, %swap3A_132], %broadcast_in_dim3A_129 {strides = array<i32>} : memref<2x128xi32, #tpu.memory_space<vmem>>, vector<16xi32>,
      %broadcast_in_dim3A_134 = arith.constant 0 : i32
      %broadcast_in_dim3A_135 = vector.broadcast %broadcast_in_dim3A_134 : i32 to vector<16xi32>
      %swap3A_136 = arith.constant 1 : i32
      %swap3A_137 = arith.index_cast %swap3A_136 : i32 to index
      %swap3A_138 = arith.constant 96 : index
      %swap3A_139 = tpu.vector_load %arg9[%swap3A_137, %swap3A_138] {strides = array<i32>} : memref<2x128xi32, #tpu.memory_space<vmem>>, vector<16xi32>,
      tpu.vector_store %arg9[%swap3A_137, %swap3A_138], %broadcast_in_dim3A_135 {strides = array<i32>} : memref<2x128xi32, #tpu.memory_space<vmem>>, vector<16xi32>,
      %broadcast_in_dim3A_140 = arith.constant 0.000000e+00 : f32
      %broadcast_in_dim3A_141 = vector.broadcast %broadcast_in_dim3A_140 : f32 to vector<16xf32>
      %swap3A_142 = arith.constant 112 : index
      %swap3A_143 = tpu.vector_load %arg8[%swap3A_142] {strides = array<i32>} : memref<128xf32, #tpu.memory_space<vmem>>, vector<16xf32>,
      tpu.vector_store %arg8[%swap3A_142], %broadcast_in_dim3A_141 {strides = array<i32>} : memref<128xf32, #tpu.memory_space<vmem>>, vector<16xf32>,
      %broadcast_in_dim3A_144 = arith.constant 0 : i32
      %broadcast_in_dim3A_145 = vector.broadcast %broadcast_in_dim3A_144 : i32 to vector<16xi32>
      %swap3A_146 = arith.constant 0 : i32
      %swap3A_147 = arith.index_cast %swap3A_146 : i32 to index
      %swap3A_148 = arith.constant 112 : index
      %swap3A_149 = tpu.vector_load %arg9[%swap3A_147, %swap3A_148] {strides = array<i32>} : memref<2x128xi32, #tpu.memory_space<vmem>>, vector<16xi32>,
      tpu.vector_store %arg9[%swap3A_147, %swap3A_148], %broadcast_in_dim3A_145 {strides = array<i32>} : memref<2x128xi32, #tpu.memory_space<vmem>>, vector<16xi32>,
      %broadcast_in_dim3A_150 = arith.constant 0 : i32
      %broadcast_in_dim3A_151 = vector.broadcast %broadcast_in_dim3A_150 : i32 to vector<16xi32>
      %swap3A_152 = arith.constant 1 : i32
      %swap3A_153 = arith.index_cast %swap3A_152 : i32 to index
      %swap3A_154 = arith.constant 112 : index
      %swap3A_155 = tpu.vector_load %arg9[%swap3A_153, %swap3A_154] {strides = array<i32>} : memref<2x128xi32, #tpu.memory_space<vmem>>, vector<16xi32>,
      tpu.vector_store %arg9[%swap3A_153, %swap3A_154], %broadcast_in_dim3A_151 {strides = array<i32>} : memref<2x128xi32, #tpu.memory_space<vmem>>, vector<16xi32>,
    } else {
    }
    %parallel_loop3A = arith.constant 0 : i32
    %parallel_loop3A_14 = arith.constant 640 : i32
    %parallel_loop3A_15 = arith.constant 1 : i32
    scf.for %parallel_loop3A_30 = %parallel_loop3A to %parallel_loop3A_14 step %parallel_loop3A_15  : i32 {
      %parallel_loop3A_31 = arith.constant 0.000000e+00 : f32
      %parallel_loop3A_32 = vector.broadcast %parallel_loop3A_31 : f32 to vector<16xf32>
      %parallel_loop3A_33 = arith.constant 16 : i32
      %parallel_loop3A_34 = arith.muli %parallel_loop3A_30, %parallel_loop3A_33 : i32
      %parallel_loop3A_35 = arith.index_cast %parallel_loop3A_34 : i32 to index
      %parallel_loop3A_36 = tpu.vector_load %arg10[%parallel_loop3A_35] {strides = array<i32>} : memref<10240xf32, #tpu.memory_space<vmem>>, vector<16xf32>,
      tpu.vector_store %arg10[%parallel_loop3A_35], %parallel_loop3A_32 {strides = array<i32>} : memref<10240xf32, #tpu.memory_space<vmem>>, vector<16xf32>,
    } {sc.loop_unroll_factor = 8 : i64, sc.parallel_access}
    %parallel_loop3A_16 = arith.constant 0 : i32
    %parallel_loop3A_17 = arith.constant 640 : i32
    %parallel_loop3A_18 = arith.constant 1 : i32
    scf.for %parallel_loop3A_30 = %parallel_loop3A_16 to %parallel_loop3A_17 step %parallel_loop3A_18  : i32 {
      %parallel_loop3A_31 = arith.constant 0.000000e+00 : f32
      %parallel_loop3A_32 = vector.broadcast %parallel_loop3A_31 : f32 to vector<16xf32>
      %parallel_loop3A_33 = arith.constant 16 : i32
      %parallel_loop3A_34 = arith.muli %parallel_loop3A_30, %parallel_loop3A_33 : i32
      %parallel_loop3A_35 = arith.index_cast %parallel_loop3A_34 : i32 to index
      %parallel_loop3A_36 = tpu.vector_load %arg11[%parallel_loop3A_35] {strides = array<i32>} : memref<10240xf32, #tpu.memory_space<vmem>>, vector<16xf32>,
      tpu.vector_store %arg11[%parallel_loop3A_35], %parallel_loop3A_32 {strides = array<i32>} : memref<10240xf32, #tpu.memory_space<vmem>>, vector<16xf32>,
    } {sc.loop_unroll_factor = 8 : i64, sc.parallel_access}
    %dma_wait3A = tpu.memref_slice %arg2[%mul3A_2] : memref<320000xf32, #tpu.memory_space<hbm>> -> memref<9984xf32, #tpu.memory_space<hbm>>
    %dma_wait3A_19 = tpu.memref_slice %arg2[%mul3A_2] : memref<320000xf32, #tpu.memory_space<hbm>> -> memref<9984xf32, #tpu.memory_space<hbm>>
    tpu.wait_dma2 semaphore(%arg12 : memref<!tpu.dma_semaphore, #tpu.memory_space<semaphore_mem>>) src(%dma_wait3A_19 : memref<9984xf32, #tpu.memory_space<hbm>>) dst(%arg6 : memref<9984xf32, #tpu.memory_space<vmem>>)
    %dma_wait3A_20 = arith.constant 0 : i32
    %dma_wait3A_21 = tpu.memref_slice %arg3[%dma_wait3A_20, %mul3A_2] : memref<2x320000xi32, #tpu.memory_space<hbm>> -> memref<2x9984xi32, #tpu.memory_space<hbm>>
    %dma_wait3A_22 = arith.constant 0 : i32
    %dma_wait3A_23 = tpu.memref_slice %arg3[%dma_wait3A_22, %mul3A_2] : memref<2x320000xi32, #tpu.memory_space<hbm>> -> memref<2x9984xi32, #tpu.memory_space<hbm>>
    tpu.wait_dma2 semaphore(%arg12 : memref<!tpu.dma_semaphore, #tpu.memory_space<semaphore_mem>>) src(%dma_wait3A_23 : memref<2x9984xi32, #tpu.memory_space<hbm>>) dst(%arg7 : memref<2x9984xi32, #tpu.memory_space<vmem>>)
    %parallel_loop3A_24 = arith.constant 0 : i32
    %parallel_loop3A_25 = arith.constant 624 : i32
    %parallel_loop3A_26 = arith.constant 1 : i32
    scf.for %parallel_loop3A_30 = %parallel_loop3A_24 to %parallel_loop3A_25 step %parallel_loop3A_26  : i32 {
      %parallel_loop3A_31 = arith.constant 16 : i32
      %parallel_loop3A_32 = arith.muli %parallel_loop3A_30, %parallel_loop3A_31 : i32
      %parallel_loop3A_33 = arith.index_cast %parallel_loop3A_32 : i32 to index
      %parallel_loop3A_34 = tpu.vector_load %arg6[%parallel_loop3A_33] {strides = array<i32>} : memref<9984xf32, #tpu.memory_space<vmem>>, vector<16xf32>,
      %parallel_loop3A_35 = arith.constant 16 : i32
      %parallel_loop3A_36 = arith.muli %parallel_loop3A_30, %parallel_loop3A_35 : i32
      %parallel_loop3A_37 = arith.constant 1 : i32
      %parallel_loop3A_38 = arith.index_cast %parallel_loop3A_37 : i32 to index
      %parallel_loop3A_39 = arith.index_cast %parallel_loop3A_36 : i32 to index
      %parallel_loop3A_40 = tpu.vector_load %arg7[%parallel_loop3A_38, %parallel_loop3A_39] {strides = array<i32>} : memref<2x9984xi32, #tpu.memory_space<vmem>>, vector<16xi32>,
      %parallel_loop3A_41 = math.absf %parallel_loop3A_34 : vector<16xf32>
      tpu.vector_store_idx %arg10[%parallel_loop3A_40], %parallel_loop3A_41 {add = true} : memref<10240xf32, #tpu.memory_space<vmem>>[vector<16xi32>], vector<16xf32>,
      tpu.vector_store_idx %arg11[%parallel_loop3A_40], %parallel_loop3A_34 {add = true} : memref<10240xf32, #tpu.memory_space<vmem>>[vector<16xi32>], vector<16xf32>,
    } {sc.loop_unroll_factor = 4 : i64, sc.parallel_access}
    %parallel_loop3A_27 = arith.constant 0 : i32
    %parallel_loop3A_28 = arith.constant 8 : i32
    %parallel_loop3A_29 = arith.constant 1 : i32
    scf.for %parallel_loop3A_30 = %parallel_loop3A_27 to %parallel_loop3A_28 step %parallel_loop3A_29  : i32 {
      %parallel_loop3A_31 = arith.constant 16 : i32
      %parallel_loop3A_32 = arith.muli %parallel_loop3A_30, %parallel_loop3A_31 : i32
      %parallel_loop3A_33 = arith.index_cast %parallel_loop3A_32 : i32 to index
      %parallel_loop3A_34 = tpu.vector_load %arg8[%parallel_loop3A_33] {strides = array<i32>} : memref<128xf32, #tpu.memory_space<vmem>>, vector<16xf32>,
      %parallel_loop3A_35 = arith.constant 16 : i32
      %parallel_loop3A_36 = arith.muli %parallel_loop3A_30, %parallel_loop3A_35 : i32
      %parallel_loop3A_37 = arith.constant 1 : i32
      %parallel_loop3A_38 = arith.index_cast %parallel_loop3A_37 : i32 to index
      %parallel_loop3A_39 = arith.index_cast %parallel_loop3A_36 : i32 to index
      %parallel_loop3A_40 = tpu.vector_load %arg9[%parallel_loop3A_38, %parallel_loop3A_39] {strides = array<i32>} : memref<2x128xi32, #tpu.memory_space<vmem>>, vector<16xi32>,
      %parallel_loop3A_41 = math.absf %parallel_loop3A_34 : vector<16xf32>
      tpu.vector_store_idx %arg10[%parallel_loop3A_40], %parallel_loop3A_41 {add = true} : memref<10240xf32, #tpu.memory_space<vmem>>[vector<16xi32>], vector<16xf32>,
      tpu.vector_store_idx %arg11[%parallel_loop3A_40], %parallel_loop3A_34 {add = true} : memref<10240xf32, #tpu.memory_space<vmem>>[vector<16xi32>], vector<16xf32>,
    } {sc.loop_unroll_factor = 4 : i64, sc.parallel_access}
    "tpu.region"() ({
      %run_scoped3A = tpu.sem_alloc : memref<!tpu.dma_semaphore, #tpu.memory_space<semaphore_mem>>
      %dma_start3A_30 = arith.constant 0 : i32
      %dma_start3A_31 = tpu.memref_slice %arg4[%add3A, %dma_start3A_30] : memref<32x10240xf32, #tpu.memory_space<hbm>> -> memref<1x10240xf32, #tpu.memory_space<hbm>>
      %dma_start3A_32 = tpu.memref_squeeze %dma_start3A_31 : memref<1x10240xf32, #tpu.memory_space<hbm>> -> memref<10240xf32, #tpu.memory_space<hbm>>
      %dma_start3A_33 = arith.constant 0 : i32
      %dma_start3A_34 = tpu.memref_slice %arg4[%add3A, %dma_start3A_33] : memref<32x10240xf32, #tpu.memory_space<hbm>> -> memref<1x10240xf32, #tpu.memory_space<hbm>>
      %dma_start3A_35 = tpu.memref_squeeze %dma_start3A_34 : memref<1x10240xf32, #tpu.memory_space<hbm>> -> memref<10240xf32, #tpu.memory_space<hbm>>
      tpu.enqueue_dma source(%arg10 : memref<10240xf32, #tpu.memory_space<vmem>>) target(%dma_start3A_35 : memref<10240xf32, #tpu.memory_space<hbm>>) target_semaphore(%run_scoped3A : memref<!tpu.dma_semaphore, #tpu.memory_space<semaphore_mem>>)
      %dma_wait3A_36 = arith.constant 0 : i32
      %dma_wait3A_37 = tpu.memref_slice %arg4[%add3A, %dma_wait3A_36] : memref<32x10240xf32, #tpu.memory_space<hbm>> -> memref<1x10240xf32, #tpu.memory_space<hbm>>
      %dma_wait3A_38 = tpu.memref_squeeze %dma_wait3A_37 : memref<1x10240xf32, #tpu.memory_space<hbm>> -> memref<10240xf32, #tpu.memory_space<hbm>>
      %dma_wait3A_39 = arith.constant 0 : i32
      %dma_wait3A_40 = tpu.memref_slice %arg4[%add3A, %dma_wait3A_39] : memref<32x10240xf32, #tpu.memory_space<hbm>> -> memref<1x10240xf32, #tpu.memory_space<hbm>>
      %dma_wait3A_41 = tpu.memref_squeeze %dma_wait3A_40 : memref<1x10240xf32, #tpu.memory_space<hbm>> -> memref<10240xf32, #tpu.memory_space<hbm>>
      tpu.wait_dma2 semaphore(%run_scoped3A : memref<!tpu.dma_semaphore, #tpu.memory_space<semaphore_mem>>) src(%arg10 : memref<10240xf32, #tpu.memory_space<vmem>>) dst(%dma_wait3A_41 : memref<10240xf32, #tpu.memory_space<hbm>>)
      tpu.yield
    }) : () -> ()
    "tpu.region"() ({
      %run_scoped3A = tpu.sem_alloc : memref<!tpu.dma_semaphore, #tpu.memory_space<semaphore_mem>>
      %dma_start3A_30 = arith.constant 0 : i32
      %dma_start3A_31 = tpu.memref_slice %arg5[%add3A, %dma_start3A_30] : memref<32x10240xf32, #tpu.memory_space<hbm>> -> memref<1x10240xf32, #tpu.memory_space<hbm>>
      %dma_start3A_32 = tpu.memref_squeeze %dma_start3A_31 : memref<1x10240xf32, #tpu.memory_space<hbm>> -> memref<10240xf32, #tpu.memory_space<hbm>>
      %dma_start3A_33 = arith.constant 0 : i32
      %dma_start3A_34 = tpu.memref_slice %arg5[%add3A, %dma_start3A_33] : memref<32x10240xf32, #tpu.memory_space<hbm>> -> memref<1x10240xf32, #tpu.memory_space<hbm>>
      %dma_start3A_35 = tpu.memref_squeeze %dma_start3A_34 : memref<1x10240xf32, #tpu.memory_space<hbm>> -> memref<10240xf32, #tpu.memory_space<hbm>>
      tpu.enqueue_dma source(%arg11 : memref<10240xf32, #tpu.memory_space<vmem>>) target(%dma_start3A_35 : memref<10240xf32, #tpu.memory_space<hbm>>) target_semaphore(%run_scoped3A : memref<!tpu.dma_semaphore, #tpu.memory_space<semaphore_mem>>)
      %dma_wait3A_36 = arith.constant 0 : i32
      %dma_wait3A_37 = tpu.memref_slice %arg5[%add3A, %dma_wait3A_36] : memref<32x10240xf32, #tpu.memory_space<hbm>> -> memref<1x10240xf32, #tpu.memory_space<hbm>>
      %dma_wait3A_38 = tpu.memref_squeeze %dma_wait3A_37 : memref<1x10240xf32, #tpu.memory_space<hbm>> -> memref<10240xf32, #tpu.memory_space<hbm>>
      %dma_wait3A_39 = arith.constant 0 : i32
      %dma_wait3A_40 = tpu.memref_slice %arg5[%add3A, %dma_wait3A_39] : memref<32x10240xf32, #tpu.memory_space<hbm>> -> memref<1x10240xf32, #tpu.memory_space<hbm>>
      %dma_wait3A_41 = tpu.memref_squeeze %dma_wait3A_40 : memref<1x10240xf32, #tpu.memory_space<hbm>> -> memref<10240xf32, #tpu.memory_space<hbm>>
      tpu.wait_dma2 semaphore(%run_scoped3A : memref<!tpu.dma_semaphore, #tpu.memory_space<semaphore_mem>>) src(%arg11 : memref<10240xf32, #tpu.memory_space<vmem>>) dst(%dma_wait3A_41 : memref<10240xf32, #tpu.memory_space<hbm>>)
      tpu.yield
    }) : () -> ()
    return
  }
}

#map = affine_map<(d0, d1) -> (0)>
#map1 = affine_map<(d0, d1) -> (0, 0)>
module attributes {stable_mosaic.version = 14 : i64} {
  func.func @gnn_milp_pass_b(%arg0: i32, %arg1: i32, %arg2: memref<320000xf32, #tpu.memory_space<hbm>>, %arg3: memref<2x320000xi32, #tpu.memory_space<hbm>>, %arg4: memref<10240xf32, #tpu.memory_space<hbm>>, %arg5: memref<10240xf32, #tpu.memory_space<hbm>>, %arg6: memref<32x10240xf32, #tpu.memory_space<hbm>>, %arg7: memref<32x10240xf32, #tpu.memory_space<hbm>>, %arg8: memref<9984xf32, #tpu.memory_space<vmem>>, %arg9: memref<2x9984xi32, #tpu.memory_space<vmem>>, %arg10: memref<128xf32, #tpu.memory_space<vmem>>, %arg11: memref<2x128xi32, #tpu.memory_space<vmem>>, %arg12: memref<10240xf32, #tpu.memory_space<vmem>>, %arg13: memref<10240xf32, #tpu.memory_space<vmem>>, %arg14: memref<10240xf32, #tpu.memory_space<vmem>>, %arg15: memref<10240xf32, #tpu.memory_space<vmem>>, %arg16: memref<!tpu.dma_semaphore, #tpu.memory_space<semaphore_mem>>) attributes {dimension_semantics = [#tpu.dimension_semantics<core_parallel>, #tpu.dimension_semantics<subcore_parallel>], iteration_bounds = array<i64: 2, 16>, scalar_prefetch = 0 : i64, scratch_operands = 9 : i64, tpu.core_type = #tpu.core_type<sc_vector_subcore>, window_params = [{transform_indices = #map}, {transform_indices = #map1}, {transform_indices = #map}, {transform_indices = #map}, {transform_indices = #map1}, {transform_indices = #map1}]} {
    %mul3A = arith.constant 2 : i32
    %mul3A_0 = arith.muli %arg1, %mul3A : i32
    %add3A = arith.addi %mul3A_0, %arg0 : i32
    %mul3A_1 = arith.constant 9984 : i32
    %mul3A_2 = arith.muli %add3A, %mul3A_1 : i32
    %dma_start3A = tpu.memref_slice %arg2[%mul3A_2] : memref<320000xf32, #tpu.memory_space<hbm>> -> memref<9984xf32, #tpu.memory_space<hbm>>
    %dma_start3A_3 = tpu.memref_slice %arg2[%mul3A_2] : memref<320000xf32, #tpu.memory_space<hbm>> -> memref<9984xf32, #tpu.memory_space<hbm>>
    tpu.enqueue_dma source(%dma_start3A_3 : memref<9984xf32, #tpu.memory_space<hbm>>) target(%arg8 : memref<9984xf32, #tpu.memory_space<vmem>>) target_semaphore(%arg16 : memref<!tpu.dma_semaphore, #tpu.memory_space<semaphore_mem>>)
    %dma_start3A_4 = arith.constant 0 : i32
    %dma_start3A_5 = tpu.memref_slice %arg3[%dma_start3A_4, %mul3A_2] : memref<2x320000xi32, #tpu.memory_space<hbm>> -> memref<2x9984xi32, #tpu.memory_space<hbm>>
    %dma_start3A_6 = arith.constant 0 : i32
    %dma_start3A_7 = tpu.memref_slice %arg3[%dma_start3A_6, %mul3A_2] : memref<2x320000xi32, #tpu.memory_space<hbm>> -> memref<2x9984xi32, #tpu.memory_space<hbm>>
    tpu.enqueue_dma source(%dma_start3A_7 : memref<2x9984xi32, #tpu.memory_space<hbm>>) target(%arg9 : memref<2x9984xi32, #tpu.memory_space<vmem>>) target_semaphore(%arg16 : memref<!tpu.dma_semaphore, #tpu.memory_space<semaphore_mem>>)
    %lt3A = arith.constant 4 : i32
    %lt3A_8 = arith.cmpi slt, %add3A, %lt3A : i32
    %convert_element_type3A = arith.extui %lt3A_8 : i1 to i32
    %cond3A = arith.constant 0 : i32
    %cond3A_9 = arith.cmpi ne, %convert_element_type3A, %cond3A : i32
    scf.if %cond3A_9 {
      %mul3A_30 = arith.constant 128 : i32
      %mul3A_31 = arith.muli %add3A, %mul3A_30 : i32
      %add3A_32 = arith.constant 319488 : i32
      %add3A_33 = arith.addi %add3A_32, %mul3A_31 : i32
      %dma_start3A_34 = tpu.memref_slice %arg2[%add3A_33] : memref<320000xf32, #tpu.memory_space<hbm>> -> memref<128xf32, #tpu.memory_space<hbm>>
      %dma_start3A_35 = tpu.memref_slice %arg2[%add3A_33] : memref<320000xf32, #tpu.memory_space<hbm>> -> memref<128xf32, #tpu.memory_space<hbm>>
      tpu.enqueue_dma source(%dma_start3A_35 : memref<128xf32, #tpu.memory_space<hbm>>) target(%arg10 : memref<128xf32, #tpu.memory_space<vmem>>) target_semaphore(%arg16 : memref<!tpu.dma_semaphore, #tpu.memory_space<semaphore_mem>>)
      %dma_start3A_36 = arith.constant 0 : i32
      %dma_start3A_37 = tpu.memref_slice %arg3[%dma_start3A_36, %add3A_33] : memref<2x320000xi32, #tpu.memory_space<hbm>> -> memref<2x128xi32, #tpu.memory_space<hbm>>
      %dma_start3A_38 = arith.constant 0 : i32
      %dma_start3A_39 = tpu.memref_slice %arg3[%dma_start3A_38, %add3A_33] : memref<2x320000xi32, #tpu.memory_space<hbm>> -> memref<2x128xi32, #tpu.memory_space<hbm>>
      tpu.enqueue_dma source(%dma_start3A_39 : memref<2x128xi32, #tpu.memory_space<hbm>>) target(%arg11 : memref<2x128xi32, #tpu.memory_space<vmem>>) target_semaphore(%arg16 : memref<!tpu.dma_semaphore, #tpu.memory_space<semaphore_mem>>)
      %dma_wait3A_40 = tpu.memref_slice %arg2[%add3A_33] : memref<320000xf32, #tpu.memory_space<hbm>> -> memref<128xf32, #tpu.memory_space<hbm>>
      %dma_wait3A_41 = tpu.memref_slice %arg2[%add3A_33] : memref<320000xf32, #tpu.memory_space<hbm>> -> memref<128xf32, #tpu.memory_space<hbm>>
      tpu.wait_dma2 semaphore(%arg16 : memref<!tpu.dma_semaphore, #tpu.memory_space<semaphore_mem>>) src(%dma_wait3A_41 : memref<128xf32, #tpu.memory_space<hbm>>) dst(%arg10 : memref<128xf32, #tpu.memory_space<vmem>>)
      %dma_wait3A_42 = arith.constant 0 : i32
      %dma_wait3A_43 = tpu.memref_slice %arg3[%dma_wait3A_42, %add3A_33] : memref<2x320000xi32, #tpu.memory_space<hbm>> -> memref<2x128xi32, #tpu.memory_space<hbm>>
      %dma_wait3A_44 = arith.constant 0 : i32
      %dma_wait3A_45 = tpu.memref_slice %arg3[%dma_wait3A_44, %add3A_33] : memref<2x320000xi32, #tpu.memory_space<hbm>> -> memref<2x128xi32, #tpu.memory_space<hbm>>
      tpu.wait_dma2 semaphore(%arg16 : memref<!tpu.dma_semaphore, #tpu.memory_space<semaphore_mem>>) src(%dma_wait3A_45 : memref<2x128xi32, #tpu.memory_space<hbm>>) dst(%arg11 : memref<2x128xi32, #tpu.memory_space<vmem>>)
    } else {
    }
    %ge3A = arith.constant 4 : i32
    %ge3A_10 = arith.cmpi sge, %add3A, %ge3A : i32
    %convert_element_type3A_11 = arith.extui %ge3A_10 : i1 to i32
    %cond3A_12 = arith.constant 0 : i32
    %cond3A_13 = arith.cmpi ne, %convert_element_type3A_11, %cond3A_12 : i32
    scf.if %cond3A_13 {
      %broadcast_in_dim3A = arith.constant 0.000000e+00 : f32
      %broadcast_in_dim3A_30 = vector.broadcast %broadcast_in_dim3A : f32 to vector<16xf32>
      %swap3A = arith.constant 0 : index
      %swap3A_31 = tpu.vector_load %arg10[%swap3A] {strides = array<i32>} : memref<128xf32, #tpu.memory_space<vmem>>, vector<16xf32>,
      tpu.vector_store %arg10[%swap3A], %broadcast_in_dim3A_30 {strides = array<i32>} : memref<128xf32, #tpu.memory_space<vmem>>, vector<16xf32>,
      %broadcast_in_dim3A_32 = arith.constant 0 : i32
      %broadcast_in_dim3A_33 = vector.broadcast %broadcast_in_dim3A_32 : i32 to vector<16xi32>
      %swap3A_34 = arith.constant 0 : i32
      %swap3A_35 = arith.index_cast %swap3A_34 : i32 to index
      %swap3A_36 = arith.constant 0 : index
      %swap3A_37 = tpu.vector_load %arg11[%swap3A_35, %swap3A_36] {strides = array<i32>} : memref<2x128xi32, #tpu.memory_space<vmem>>, vector<16xi32>,
      tpu.vector_store %arg11[%swap3A_35, %swap3A_36], %broadcast_in_dim3A_33 {strides = array<i32>} : memref<2x128xi32, #tpu.memory_space<vmem>>, vector<16xi32>,
      %broadcast_in_dim3A_38 = arith.constant 0 : i32
      %broadcast_in_dim3A_39 = vector.broadcast %broadcast_in_dim3A_38 : i32 to vector<16xi32>
      %swap3A_40 = arith.constant 1 : i32
      %swap3A_41 = arith.index_cast %swap3A_40 : i32 to index
      %swap3A_42 = arith.constant 0 : index
      %swap3A_43 = tpu.vector_load %arg11[%swap3A_41, %swap3A_42] {strides = array<i32>} : memref<2x128xi32, #tpu.memory_space<vmem>>, vector<16xi32>,
      tpu.vector_store %arg11[%swap3A_41, %swap3A_42], %broadcast_in_dim3A_39 {strides = array<i32>} : memref<2x128xi32, #tpu.memory_space<vmem>>, vector<16xi32>,
      %broadcast_in_dim3A_44 = arith.constant 0.000000e+00 : f32
      %broadcast_in_dim3A_45 = vector.broadcast %broadcast_in_dim3A_44 : f32 to vector<16xf32>
      %swap3A_46 = arith.constant 16 : index
      %swap3A_47 = tpu.vector_load %arg10[%swap3A_46] {strides = array<i32>} : memref<128xf32, #tpu.memory_space<vmem>>, vector<16xf32>,
      tpu.vector_store %arg10[%swap3A_46], %broadcast_in_dim3A_45 {strides = array<i32>} : memref<128xf32, #tpu.memory_space<vmem>>, vector<16xf32>,
      %broadcast_in_dim3A_48 = arith.constant 0 : i32
      %broadcast_in_dim3A_49 = vector.broadcast %broadcast_in_dim3A_48 : i32 to vector<16xi32>
      %swap3A_50 = arith.constant 0 : i32
      %swap3A_51 = arith.index_cast %swap3A_50 : i32 to index
      %swap3A_52 = arith.constant 16 : index
      %swap3A_53 = tpu.vector_load %arg11[%swap3A_51, %swap3A_52] {strides = array<i32>} : memref<2x128xi32, #tpu.memory_space<vmem>>, vector<16xi32>,
      tpu.vector_store %arg11[%swap3A_51, %swap3A_52], %broadcast_in_dim3A_49 {strides = array<i32>} : memref<2x128xi32, #tpu.memory_space<vmem>>, vector<16xi32>,
      %broadcast_in_dim3A_54 = arith.constant 0 : i32
      %broadcast_in_dim3A_55 = vector.broadcast %broadcast_in_dim3A_54 : i32 to vector<16xi32>
      %swap3A_56 = arith.constant 1 : i32
      %swap3A_57 = arith.index_cast %swap3A_56 : i32 to index
      %swap3A_58 = arith.constant 16 : index
      %swap3A_59 = tpu.vector_load %arg11[%swap3A_57, %swap3A_58] {strides = array<i32>} : memref<2x128xi32, #tpu.memory_space<vmem>>, vector<16xi32>,
      tpu.vector_store %arg11[%swap3A_57, %swap3A_58], %broadcast_in_dim3A_55 {strides = array<i32>} : memref<2x128xi32, #tpu.memory_space<vmem>>, vector<16xi32>,
      %broadcast_in_dim3A_60 = arith.constant 0.000000e+00 : f32
      %broadcast_in_dim3A_61 = vector.broadcast %broadcast_in_dim3A_60 : f32 to vector<16xf32>
      %swap3A_62 = arith.constant 32 : index
      %swap3A_63 = tpu.vector_load %arg10[%swap3A_62] {strides = array<i32>} : memref<128xf32, #tpu.memory_space<vmem>>, vector<16xf32>,
      tpu.vector_store %arg10[%swap3A_62], %broadcast_in_dim3A_61 {strides = array<i32>} : memref<128xf32, #tpu.memory_space<vmem>>, vector<16xf32>,
      %broadcast_in_dim3A_64 = arith.constant 0 : i32
      %broadcast_in_dim3A_65 = vector.broadcast %broadcast_in_dim3A_64 : i32 to vector<16xi32>
      %swap3A_66 = arith.constant 0 : i32
      %swap3A_67 = arith.index_cast %swap3A_66 : i32 to index
      %swap3A_68 = arith.constant 32 : index
      %swap3A_69 = tpu.vector_load %arg11[%swap3A_67, %swap3A_68] {strides = array<i32>} : memref<2x128xi32, #tpu.memory_space<vmem>>, vector<16xi32>,
      tpu.vector_store %arg11[%swap3A_67, %swap3A_68], %broadcast_in_dim3A_65 {strides = array<i32>} : memref<2x128xi32, #tpu.memory_space<vmem>>, vector<16xi32>,
      %broadcast_in_dim3A_70 = arith.constant 0 : i32
      %broadcast_in_dim3A_71 = vector.broadcast %broadcast_in_dim3A_70 : i32 to vector<16xi32>
      %swap3A_72 = arith.constant 1 : i32
      %swap3A_73 = arith.index_cast %swap3A_72 : i32 to index
      %swap3A_74 = arith.constant 32 : index
      %swap3A_75 = tpu.vector_load %arg11[%swap3A_73, %swap3A_74] {strides = array<i32>} : memref<2x128xi32, #tpu.memory_space<vmem>>, vector<16xi32>,
      tpu.vector_store %arg11[%swap3A_73, %swap3A_74], %broadcast_in_dim3A_71 {strides = array<i32>} : memref<2x128xi32, #tpu.memory_space<vmem>>, vector<16xi32>,
      %broadcast_in_dim3A_76 = arith.constant 0.000000e+00 : f32
      %broadcast_in_dim3A_77 = vector.broadcast %broadcast_in_dim3A_76 : f32 to vector<16xf32>
      %swap3A_78 = arith.constant 48 : index
      %swap3A_79 = tpu.vector_load %arg10[%swap3A_78] {strides = array<i32>} : memref<128xf32, #tpu.memory_space<vmem>>, vector<16xf32>,
      tpu.vector_store %arg10[%swap3A_78], %broadcast_in_dim3A_77 {strides = array<i32>} : memref<128xf32, #tpu.memory_space<vmem>>, vector<16xf32>,
      %broadcast_in_dim3A_80 = arith.constant 0 : i32
      %broadcast_in_dim3A_81 = vector.broadcast %broadcast_in_dim3A_80 : i32 to vector<16xi32>
      %swap3A_82 = arith.constant 0 : i32
      %swap3A_83 = arith.index_cast %swap3A_82 : i32 to index
      %swap3A_84 = arith.constant 48 : index
      %swap3A_85 = tpu.vector_load %arg11[%swap3A_83, %swap3A_84] {strides = array<i32>} : memref<2x128xi32, #tpu.memory_space<vmem>>, vector<16xi32>,
      tpu.vector_store %arg11[%swap3A_83, %swap3A_84], %broadcast_in_dim3A_81 {strides = array<i32>} : memref<2x128xi32, #tpu.memory_space<vmem>>, vector<16xi32>,
      %broadcast_in_dim3A_86 = arith.constant 0 : i32
      %broadcast_in_dim3A_87 = vector.broadcast %broadcast_in_dim3A_86 : i32 to vector<16xi32>
      %swap3A_88 = arith.constant 1 : i32
      %swap3A_89 = arith.index_cast %swap3A_88 : i32 to index
      %swap3A_90 = arith.constant 48 : index
      %swap3A_91 = tpu.vector_load %arg11[%swap3A_89, %swap3A_90] {strides = array<i32>} : memref<2x128xi32, #tpu.memory_space<vmem>>, vector<16xi32>,
      tpu.vector_store %arg11[%swap3A_89, %swap3A_90], %broadcast_in_dim3A_87 {strides = array<i32>} : memref<2x128xi32, #tpu.memory_space<vmem>>, vector<16xi32>,
      %broadcast_in_dim3A_92 = arith.constant 0.000000e+00 : f32
      %broadcast_in_dim3A_93 = vector.broadcast %broadcast_in_dim3A_92 : f32 to vector<16xf32>
      %swap3A_94 = arith.constant 64 : index
      %swap3A_95 = tpu.vector_load %arg10[%swap3A_94] {strides = array<i32>} : memref<128xf32, #tpu.memory_space<vmem>>, vector<16xf32>,
      tpu.vector_store %arg10[%swap3A_94], %broadcast_in_dim3A_93 {strides = array<i32>} : memref<128xf32, #tpu.memory_space<vmem>>, vector<16xf32>,
      %broadcast_in_dim3A_96 = arith.constant 0 : i32
      %broadcast_in_dim3A_97 = vector.broadcast %broadcast_in_dim3A_96 : i32 to vector<16xi32>
      %swap3A_98 = arith.constant 0 : i32
      %swap3A_99 = arith.index_cast %swap3A_98 : i32 to index
      %swap3A_100 = arith.constant 64 : index
      %swap3A_101 = tpu.vector_load %arg11[%swap3A_99, %swap3A_100] {strides = array<i32>} : memref<2x128xi32, #tpu.memory_space<vmem>>, vector<16xi32>,
      tpu.vector_store %arg11[%swap3A_99, %swap3A_100], %broadcast_in_dim3A_97 {strides = array<i32>} : memref<2x128xi32, #tpu.memory_space<vmem>>, vector<16xi32>,
      %broadcast_in_dim3A_102 = arith.constant 0 : i32
      %broadcast_in_dim3A_103 = vector.broadcast %broadcast_in_dim3A_102 : i32 to vector<16xi32>
      %swap3A_104 = arith.constant 1 : i32
      %swap3A_105 = arith.index_cast %swap3A_104 : i32 to index
      %swap3A_106 = arith.constant 64 : index
      %swap3A_107 = tpu.vector_load %arg11[%swap3A_105, %swap3A_106] {strides = array<i32>} : memref<2x128xi32, #tpu.memory_space<vmem>>, vector<16xi32>,
      tpu.vector_store %arg11[%swap3A_105, %swap3A_106], %broadcast_in_dim3A_103 {strides = array<i32>} : memref<2x128xi32, #tpu.memory_space<vmem>>, vector<16xi32>,
      %broadcast_in_dim3A_108 = arith.constant 0.000000e+00 : f32
      %broadcast_in_dim3A_109 = vector.broadcast %broadcast_in_dim3A_108 : f32 to vector<16xf32>
      %swap3A_110 = arith.constant 80 : index
      %swap3A_111 = tpu.vector_load %arg10[%swap3A_110] {strides = array<i32>} : memref<128xf32, #tpu.memory_space<vmem>>, vector<16xf32>,
      tpu.vector_store %arg10[%swap3A_110], %broadcast_in_dim3A_109 {strides = array<i32>} : memref<128xf32, #tpu.memory_space<vmem>>, vector<16xf32>,
      %broadcast_in_dim3A_112 = arith.constant 0 : i32
      %broadcast_in_dim3A_113 = vector.broadcast %broadcast_in_dim3A_112 : i32 to vector<16xi32>
      %swap3A_114 = arith.constant 0 : i32
      %swap3A_115 = arith.index_cast %swap3A_114 : i32 to index
      %swap3A_116 = arith.constant 80 : index
      %swap3A_117 = tpu.vector_load %arg11[%swap3A_115, %swap3A_116] {strides = array<i32>} : memref<2x128xi32, #tpu.memory_space<vmem>>, vector<16xi32>,
      tpu.vector_store %arg11[%swap3A_115, %swap3A_116], %broadcast_in_dim3A_113 {strides = array<i32>} : memref<2x128xi32, #tpu.memory_space<vmem>>, vector<16xi32>,
      %broadcast_in_dim3A_118 = arith.constant 0 : i32
      %broadcast_in_dim3A_119 = vector.broadcast %broadcast_in_dim3A_118 : i32 to vector<16xi32>
      %swap3A_120 = arith.constant 1 : i32
      %swap3A_121 = arith.index_cast %swap3A_120 : i32 to index
      %swap3A_122 = arith.constant 80 : index
      %swap3A_123 = tpu.vector_load %arg11[%swap3A_121, %swap3A_122] {strides = array<i32>} : memref<2x128xi32, #tpu.memory_space<vmem>>, vector<16xi32>,
      tpu.vector_store %arg11[%swap3A_121, %swap3A_122], %broadcast_in_dim3A_119 {strides = array<i32>} : memref<2x128xi32, #tpu.memory_space<vmem>>, vector<16xi32>,
      %broadcast_in_dim3A_124 = arith.constant 0.000000e+00 : f32
      %broadcast_in_dim3A_125 = vector.broadcast %broadcast_in_dim3A_124 : f32 to vector<16xf32>
      %swap3A_126 = arith.constant 96 : index
      %swap3A_127 = tpu.vector_load %arg10[%swap3A_126] {strides = array<i32>} : memref<128xf32, #tpu.memory_space<vmem>>, vector<16xf32>,
      tpu.vector_store %arg10[%swap3A_126], %broadcast_in_dim3A_125 {strides = array<i32>} : memref<128xf32, #tpu.memory_space<vmem>>, vector<16xf32>,
      %broadcast_in_dim3A_128 = arith.constant 0 : i32
      %broadcast_in_dim3A_129 = vector.broadcast %broadcast_in_dim3A_128 : i32 to vector<16xi32>
      %swap3A_130 = arith.constant 0 : i32
      %swap3A_131 = arith.index_cast %swap3A_130 : i32 to index
      %swap3A_132 = arith.constant 96 : index
      %swap3A_133 = tpu.vector_load %arg11[%swap3A_131, %swap3A_132] {strides = array<i32>} : memref<2x128xi32, #tpu.memory_space<vmem>>, vector<16xi32>,
      tpu.vector_store %arg11[%swap3A_131, %swap3A_132], %broadcast_in_dim3A_129 {strides = array<i32>} : memref<2x128xi32, #tpu.memory_space<vmem>>, vector<16xi32>,
      %broadcast_in_dim3A_134 = arith.constant 0 : i32
      %broadcast_in_dim3A_135 = vector.broadcast %broadcast_in_dim3A_134 : i32 to vector<16xi32>
      %swap3A_136 = arith.constant 1 : i32
      %swap3A_137 = arith.index_cast %swap3A_136 : i32 to index
      %swap3A_138 = arith.constant 96 : index
      %swap3A_139 = tpu.vector_load %arg11[%swap3A_137, %swap3A_138] {strides = array<i32>} : memref<2x128xi32, #tpu.memory_space<vmem>>, vector<16xi32>,
      tpu.vector_store %arg11[%swap3A_137, %swap3A_138], %broadcast_in_dim3A_135 {strides = array<i32>} : memref<2x128xi32, #tpu.memory_space<vmem>>, vector<16xi32>,
      %broadcast_in_dim3A_140 = arith.constant 0.000000e+00 : f32
      %broadcast_in_dim3A_141 = vector.broadcast %broadcast_in_dim3A_140 : f32 to vector<16xf32>
      %swap3A_142 = arith.constant 112 : index
      %swap3A_143 = tpu.vector_load %arg10[%swap3A_142] {strides = array<i32>} : memref<128xf32, #tpu.memory_space<vmem>>, vector<16xf32>,
      tpu.vector_store %arg10[%swap3A_142], %broadcast_in_dim3A_141 {strides = array<i32>} : memref<128xf32, #tpu.memory_space<vmem>>, vector<16xf32>,
      %broadcast_in_dim3A_144 = arith.constant 0 : i32
      %broadcast_in_dim3A_145 = vector.broadcast %broadcast_in_dim3A_144 : i32 to vector<16xi32>
      %swap3A_146 = arith.constant 0 : i32
      %swap3A_147 = arith.index_cast %swap3A_146 : i32 to index
      %swap3A_148 = arith.constant 112 : index
      %swap3A_149 = tpu.vector_load %arg11[%swap3A_147, %swap3A_148] {strides = array<i32>} : memref<2x128xi32, #tpu.memory_space<vmem>>, vector<16xi32>,
      tpu.vector_store %arg11[%swap3A_147, %swap3A_148], %broadcast_in_dim3A_145 {strides = array<i32>} : memref<2x128xi32, #tpu.memory_space<vmem>>, vector<16xi32>,
      %broadcast_in_dim3A_150 = arith.constant 0 : i32
      %broadcast_in_dim3A_151 = vector.broadcast %broadcast_in_dim3A_150 : i32 to vector<16xi32>
      %swap3A_152 = arith.constant 1 : i32
      %swap3A_153 = arith.index_cast %swap3A_152 : i32 to index
      %swap3A_154 = arith.constant 112 : index
      %swap3A_155 = tpu.vector_load %arg11[%swap3A_153, %swap3A_154] {strides = array<i32>} : memref<2x128xi32, #tpu.memory_space<vmem>>, vector<16xi32>,
      tpu.vector_store %arg11[%swap3A_153, %swap3A_154], %broadcast_in_dim3A_151 {strides = array<i32>} : memref<2x128xi32, #tpu.memory_space<vmem>>, vector<16xi32>,
    } else {
    }
    tpu.enqueue_dma source(%arg4 : memref<10240xf32, #tpu.memory_space<hbm>>) target(%arg12 : memref<10240xf32, #tpu.memory_space<vmem>>) target_semaphore(%arg16 : memref<!tpu.dma_semaphore, #tpu.memory_space<semaphore_mem>>)
    tpu.enqueue_dma source(%arg5 : memref<10240xf32, #tpu.memory_space<hbm>>) target(%arg13 : memref<10240xf32, #tpu.memory_space<vmem>>) target_semaphore(%arg16 : memref<!tpu.dma_semaphore, #tpu.memory_space<semaphore_mem>>)
    %parallel_loop3A = arith.constant 0 : i32
    %parallel_loop3A_14 = arith.constant 640 : i32
    %parallel_loop3A_15 = arith.constant 1 : i32
    scf.for %parallel_loop3A_30 = %parallel_loop3A to %parallel_loop3A_14 step %parallel_loop3A_15  : i32 {
      %parallel_loop3A_31 = arith.constant 0.000000e+00 : f32
      %parallel_loop3A_32 = vector.broadcast %parallel_loop3A_31 : f32 to vector<16xf32>
      %parallel_loop3A_33 = arith.constant 16 : i32
      %parallel_loop3A_34 = arith.muli %parallel_loop3A_30, %parallel_loop3A_33 : i32
      %parallel_loop3A_35 = arith.index_cast %parallel_loop3A_34 : i32 to index
      %parallel_loop3A_36 = tpu.vector_load %arg14[%parallel_loop3A_35] {strides = array<i32>} : memref<10240xf32, #tpu.memory_space<vmem>>, vector<16xf32>,
      tpu.vector_store %arg14[%parallel_loop3A_35], %parallel_loop3A_32 {strides = array<i32>} : memref<10240xf32, #tpu.memory_space<vmem>>, vector<16xf32>,
    } {sc.loop_unroll_factor = 8 : i64, sc.parallel_access}
    %parallel_loop3A_16 = arith.constant 0 : i32
    %parallel_loop3A_17 = arith.constant 640 : i32
    %parallel_loop3A_18 = arith.constant 1 : i32
    scf.for %parallel_loop3A_30 = %parallel_loop3A_16 to %parallel_loop3A_17 step %parallel_loop3A_18  : i32 {
      %parallel_loop3A_31 = arith.constant 0.000000e+00 : f32
      %parallel_loop3A_32 = vector.broadcast %parallel_loop3A_31 : f32 to vector<16xf32>
      %parallel_loop3A_33 = arith.constant 16 : i32
      %parallel_loop3A_34 = arith.muli %parallel_loop3A_30, %parallel_loop3A_33 : i32
      %parallel_loop3A_35 = arith.index_cast %parallel_loop3A_34 : i32 to index
      %parallel_loop3A_36 = tpu.vector_load %arg15[%parallel_loop3A_35] {strides = array<i32>} : memref<10240xf32, #tpu.memory_space<vmem>>, vector<16xf32>,
      tpu.vector_store %arg15[%parallel_loop3A_35], %parallel_loop3A_32 {strides = array<i32>} : memref<10240xf32, #tpu.memory_space<vmem>>, vector<16xf32>,
    } {sc.loop_unroll_factor = 8 : i64, sc.parallel_access}
    %dma_wait3A = tpu.memref_slice %arg2[%mul3A_2] : memref<320000xf32, #tpu.memory_space<hbm>> -> memref<9984xf32, #tpu.memory_space<hbm>>
    %dma_wait3A_19 = tpu.memref_slice %arg2[%mul3A_2] : memref<320000xf32, #tpu.memory_space<hbm>> -> memref<9984xf32, #tpu.memory_space<hbm>>
    tpu.wait_dma2 semaphore(%arg16 : memref<!tpu.dma_semaphore, #tpu.memory_space<semaphore_mem>>) src(%dma_wait3A_19 : memref<9984xf32, #tpu.memory_space<hbm>>) dst(%arg8 : memref<9984xf32, #tpu.memory_space<vmem>>)
    %dma_wait3A_20 = arith.constant 0 : i32
    %dma_wait3A_21 = tpu.memref_slice %arg3[%dma_wait3A_20, %mul3A_2] : memref<2x320000xi32, #tpu.memory_space<hbm>> -> memref<2x9984xi32, #tpu.memory_space<hbm>>
    %dma_wait3A_22 = arith.constant 0 : i32
    %dma_wait3A_23 = tpu.memref_slice %arg3[%dma_wait3A_22, %mul3A_2] : memref<2x320000xi32, #tpu.memory_space<hbm>> -> memref<2x9984xi32, #tpu.memory_space<hbm>>
    tpu.wait_dma2 semaphore(%arg16 : memref<!tpu.dma_semaphore, #tpu.memory_space<semaphore_mem>>) src(%dma_wait3A_23 : memref<2x9984xi32, #tpu.memory_space<hbm>>) dst(%arg9 : memref<2x9984xi32, #tpu.memory_space<vmem>>)
    tpu.wait_dma2 semaphore(%arg16 : memref<!tpu.dma_semaphore, #tpu.memory_space<semaphore_mem>>) src(%arg4 : memref<10240xf32, #tpu.memory_space<hbm>>) dst(%arg12 : memref<10240xf32, #tpu.memory_space<vmem>>)
    tpu.wait_dma2 semaphore(%arg16 : memref<!tpu.dma_semaphore, #tpu.memory_space<semaphore_mem>>) src(%arg5 : memref<10240xf32, #tpu.memory_space<hbm>>) dst(%arg13 : memref<10240xf32, #tpu.memory_space<vmem>>)
    %parallel_loop3A_24 = arith.constant 0 : i32
    %parallel_loop3A_25 = arith.constant 624 : i32
    %parallel_loop3A_26 = arith.constant 1 : i32
    scf.for %parallel_loop3A_30 = %parallel_loop3A_24 to %parallel_loop3A_25 step %parallel_loop3A_26  : i32 {
      %parallel_loop3A_31 = arith.constant 16 : i32
      %parallel_loop3A_32 = arith.muli %parallel_loop3A_30, %parallel_loop3A_31 : i32
      %parallel_loop3A_33 = arith.index_cast %parallel_loop3A_32 : i32 to index
      %parallel_loop3A_34 = tpu.vector_load %arg8[%parallel_loop3A_33] {strides = array<i32>} : memref<9984xf32, #tpu.memory_space<vmem>>, vector<16xf32>,
      %parallel_loop3A_35 = arith.constant 16 : i32
      %parallel_loop3A_36 = arith.muli %parallel_loop3A_30, %parallel_loop3A_35 : i32
      %parallel_loop3A_37 = arith.constant 0 : i32
      %parallel_loop3A_38 = arith.index_cast %parallel_loop3A_37 : i32 to index
      %parallel_loop3A_39 = arith.index_cast %parallel_loop3A_36 : i32 to index
      %parallel_loop3A_40 = tpu.vector_load %arg9[%parallel_loop3A_38, %parallel_loop3A_39] {strides = array<i32>} : memref<2x9984xi32, #tpu.memory_space<vmem>>, vector<16xi32>,
      %parallel_loop3A_41 = arith.constant 16 : i32
      %parallel_loop3A_42 = arith.muli %parallel_loop3A_30, %parallel_loop3A_41 : i32
      %parallel_loop3A_43 = arith.constant 1 : i32
      %parallel_loop3A_44 = arith.index_cast %parallel_loop3A_43 : i32 to index
      %parallel_loop3A_45 = arith.index_cast %parallel_loop3A_42 : i32 to index
      %parallel_loop3A_46 = tpu.vector_load %arg9[%parallel_loop3A_44, %parallel_loop3A_45] {strides = array<i32>} : memref<2x9984xi32, #tpu.memory_space<vmem>>, vector<16xi32>,
      %parallel_loop3A_47 = tpu.vector_load_idx %arg12[%parallel_loop3A_46] : memref<10240xf32, #tpu.memory_space<vmem>>[vector<16xi32>], vector<16xf32>,
      %parallel_loop3A_48 = arith.mulf %parallel_loop3A_34, %parallel_loop3A_47 : vector<16xf32>
      tpu.vector_store_idx %arg14[%parallel_loop3A_40], %parallel_loop3A_48 {add = true} : memref<10240xf32, #tpu.memory_space<vmem>>[vector<16xi32>], vector<16xf32>,
      %parallel_loop3A_49 = tpu.vector_load_idx %arg13[%parallel_loop3A_46] : memref<10240xf32, #tpu.memory_space<vmem>>[vector<16xi32>], vector<16xf32>,
      %parallel_loop3A_50 = arith.mulf %parallel_loop3A_48, %parallel_loop3A_49 : vector<16xf32>
      tpu.vector_store_idx %arg15[%parallel_loop3A_40], %parallel_loop3A_50 {add = true} : memref<10240xf32, #tpu.memory_space<vmem>>[vector<16xi32>], vector<16xf32>,
    } {sc.loop_unroll_factor = 4 : i64, sc.parallel_access}
    %parallel_loop3A_27 = arith.constant 0 : i32
    %parallel_loop3A_28 = arith.constant 8 : i32
    %parallel_loop3A_29 = arith.constant 1 : i32
    scf.for %parallel_loop3A_30 = %parallel_loop3A_27 to %parallel_loop3A_28 step %parallel_loop3A_29  : i32 {
      %parallel_loop3A_31 = arith.constant 16 : i32
      %parallel_loop3A_32 = arith.muli %parallel_loop3A_30, %parallel_loop3A_31 : i32
      %parallel_loop3A_33 = arith.index_cast %parallel_loop3A_32 : i32 to index
      %parallel_loop3A_34 = tpu.vector_load %arg10[%parallel_loop3A_33] {strides = array<i32>} : memref<128xf32, #tpu.memory_space<vmem>>, vector<16xf32>,
      %parallel_loop3A_35 = arith.constant 16 : i32
      %parallel_loop3A_36 = arith.muli %parallel_loop3A_30, %parallel_loop3A_35 : i32
      %parallel_loop3A_37 = arith.constant 0 : i32
      %parallel_loop3A_38 = arith.index_cast %parallel_loop3A_37 : i32 to index
      %parallel_loop3A_39 = arith.index_cast %parallel_loop3A_36 : i32 to index
      %parallel_loop3A_40 = tpu.vector_load %arg11[%parallel_loop3A_38, %parallel_loop3A_39] {strides = array<i32>} : memref<2x128xi32, #tpu.memory_space<vmem>>, vector<16xi32>,
      %parallel_loop3A_41 = arith.constant 16 : i32
      %parallel_loop3A_42 = arith.muli %parallel_loop3A_30, %parallel_loop3A_41 : i32
      %parallel_loop3A_43 = arith.constant 1 : i32
      %parallel_loop3A_44 = arith.index_cast %parallel_loop3A_43 : i32 to index
      %parallel_loop3A_45 = arith.index_cast %parallel_loop3A_42 : i32 to index
      %parallel_loop3A_46 = tpu.vector_load %arg11[%parallel_loop3A_44, %parallel_loop3A_45] {strides = array<i32>} : memref<2x128xi32, #tpu.memory_space<vmem>>, vector<16xi32>,
      %parallel_loop3A_47 = tpu.vector_load_idx %arg12[%parallel_loop3A_46] : memref<10240xf32, #tpu.memory_space<vmem>>[vector<16xi32>], vector<16xf32>,
      %parallel_loop3A_48 = arith.mulf %parallel_loop3A_34, %parallel_loop3A_47 : vector<16xf32>
      tpu.vector_store_idx %arg14[%parallel_loop3A_40], %parallel_loop3A_48 {add = true} : memref<10240xf32, #tpu.memory_space<vmem>>[vector<16xi32>], vector<16xf32>,
      %parallel_loop3A_49 = tpu.vector_load_idx %arg13[%parallel_loop3A_46] : memref<10240xf32, #tpu.memory_space<vmem>>[vector<16xi32>], vector<16xf32>,
      %parallel_loop3A_50 = arith.mulf %parallel_loop3A_48, %parallel_loop3A_49 : vector<16xf32>
      tpu.vector_store_idx %arg15[%parallel_loop3A_40], %parallel_loop3A_50 {add = true} : memref<10240xf32, #tpu.memory_space<vmem>>[vector<16xi32>], vector<16xf32>,
    } {sc.loop_unroll_factor = 4 : i64, sc.parallel_access}
    "tpu.region"() ({
      %run_scoped3A = tpu.sem_alloc : memref<!tpu.dma_semaphore, #tpu.memory_space<semaphore_mem>>
      %dma_start3A_30 = arith.constant 0 : i32
      %dma_start3A_31 = tpu.memref_slice %arg6[%add3A, %dma_start3A_30] : memref<32x10240xf32, #tpu.memory_space<hbm>> -> memref<1x10240xf32, #tpu.memory_space<hbm>>
      %dma_start3A_32 = tpu.memref_squeeze %dma_start3A_31 : memref<1x10240xf32, #tpu.memory_space<hbm>> -> memref<10240xf32, #tpu.memory_space<hbm>>
      %dma_start3A_33 = arith.constant 0 : i32
      %dma_start3A_34 = tpu.memref_slice %arg6[%add3A, %dma_start3A_33] : memref<32x10240xf32, #tpu.memory_space<hbm>> -> memref<1x10240xf32, #tpu.memory_space<hbm>>
      %dma_start3A_35 = tpu.memref_squeeze %dma_start3A_34 : memref<1x10240xf32, #tpu.memory_space<hbm>> -> memref<10240xf32, #tpu.memory_space<hbm>>
      tpu.enqueue_dma source(%arg14 : memref<10240xf32, #tpu.memory_space<vmem>>) target(%dma_start3A_35 : memref<10240xf32, #tpu.memory_space<hbm>>) target_semaphore(%run_scoped3A : memref<!tpu.dma_semaphore, #tpu.memory_space<semaphore_mem>>)
      %dma_wait3A_36 = arith.constant 0 : i32
      %dma_wait3A_37 = tpu.memref_slice %arg6[%add3A, %dma_wait3A_36] : memref<32x10240xf32, #tpu.memory_space<hbm>> -> memref<1x10240xf32, #tpu.memory_space<hbm>>
      %dma_wait3A_38 = tpu.memref_squeeze %dma_wait3A_37 : memref<1x10240xf32, #tpu.memory_space<hbm>> -> memref<10240xf32, #tpu.memory_space<hbm>>
      %dma_wait3A_39 = arith.constant 0 : i32
      %dma_wait3A_40 = tpu.memref_slice %arg6[%add3A, %dma_wait3A_39] : memref<32x10240xf32, #tpu.memory_space<hbm>> -> memref<1x10240xf32, #tpu.memory_space<hbm>>
      %dma_wait3A_41 = tpu.memref_squeeze %dma_wait3A_40 : memref<1x10240xf32, #tpu.memory_space<hbm>> -> memref<10240xf32, #tpu.memory_space<hbm>>
      tpu.wait_dma2 semaphore(%run_scoped3A : memref<!tpu.dma_semaphore, #tpu.memory_space<semaphore_mem>>) src(%arg14 : memref<10240xf32, #tpu.memory_space<vmem>>) dst(%dma_wait3A_41 : memref<10240xf32, #tpu.memory_space<hbm>>)
      tpu.yield
    }) : () -> ()
    "tpu.region"() ({
      %run_scoped3A = tpu.sem_alloc : memref<!tpu.dma_semaphore, #tpu.memory_space<semaphore_mem>>
      %dma_start3A_30 = arith.constant 0 : i32
      %dma_start3A_31 = tpu.memref_slice %arg7[%add3A, %dma_start3A_30] : memref<32x10240xf32, #tpu.memory_space<hbm>> -> memref<1x10240xf32, #tpu.memory_space<hbm>>
      %dma_start3A_32 = tpu.memref_squeeze %dma_start3A_31 : memref<1x10240xf32, #tpu.memory_space<hbm>> -> memref<10240xf32, #tpu.memory_space<hbm>>
      %dma_start3A_33 = arith.constant 0 : i32
      %dma_start3A_34 = tpu.memref_slice %arg7[%add3A, %dma_start3A_33] : memref<32x10240xf32, #tpu.memory_space<hbm>> -> memref<1x10240xf32, #tpu.memory_space<hbm>>
      %dma_start3A_35 = tpu.memref_squeeze %dma_start3A_34 : memref<1x10240xf32, #tpu.memory_space<hbm>> -> memref<10240xf32, #tpu.memory_space<hbm>>
      tpu.enqueue_dma source(%arg15 : memref<10240xf32, #tpu.memory_space<vmem>>) target(%dma_start3A_35 : memref<10240xf32, #tpu.memory_space<hbm>>) target_semaphore(%run_scoped3A : memref<!tpu.dma_semaphore, #tpu.memory_space<semaphore_mem>>)
      %dma_wait3A_36 = arith.constant 0 : i32
      %dma_wait3A_37 = tpu.memref_slice %arg7[%add3A, %dma_wait3A_36] : memref<32x10240xf32, #tpu.memory_space<hbm>> -> memref<1x10240xf32, #tpu.memory_space<hbm>>
      %dma_wait3A_38 = tpu.memref_squeeze %dma_wait3A_37 : memref<1x10240xf32, #tpu.memory_space<hbm>> -> memref<10240xf32, #tpu.memory_space<hbm>>
      %dma_wait3A_39 = arith.constant 0 : i32
      %dma_wait3A_40 = tpu.memref_slice %arg7[%add3A, %dma_wait3A_39] : memref<32x10240xf32, #tpu.memory_space<hbm>> -> memref<1x10240xf32, #tpu.memory_space<hbm>>
      %dma_wait3A_41 = tpu.memref_squeeze %dma_wait3A_40 : memref<1x10240xf32, #tpu.memory_space<hbm>> -> memref<10240xf32, #tpu.memory_space<hbm>>
      tpu.wait_dma2 semaphore(%run_scoped3A : memref<!tpu.dma_semaphore, #tpu.memory_space<semaphore_mem>>) src(%arg15 : memref<10240xf32, #tpu.memory_space<vmem>>) dst(%dma_wait3A_41 : memref<10240xf32, #tpu.memory_space<hbm>>)
      tpu.yield
    }) : () -> ()
    return
  }
}

#map = affine_map<(d0, d1) -> (0)>
#map1 = affine_map<(d0, d1) -> (0, 0)>
module attributes {stable_mosaic.version = 14 : i64} {
  func.func @gnn_milp_pass_c(%arg0: i32, %arg1: i32, %arg2: memref<320000xf32, #tpu.memory_space<hbm>>, %arg3: memref<2x320000xi32, #tpu.memory_space<hbm>>, %arg4: memref<10240xf32, #tpu.memory_space<hbm>>, %arg5: memref<32x10240xf32, #tpu.memory_space<hbm>>, %arg6: memref<9984xf32, #tpu.memory_space<vmem>>, %arg7: memref<2x9984xi32, #tpu.memory_space<vmem>>, %arg8: memref<128xf32, #tpu.memory_space<vmem>>, %arg9: memref<2x128xi32, #tpu.memory_space<vmem>>, %arg10: memref<10240xf32, #tpu.memory_space<vmem>>, %arg11: memref<10240xf32, #tpu.memory_space<vmem>>, %arg12: memref<!tpu.dma_semaphore, #tpu.memory_space<semaphore_mem>>) attributes {dimension_semantics = [#tpu.dimension_semantics<core_parallel>, #tpu.dimension_semantics<subcore_parallel>], iteration_bounds = array<i64: 2, 16>, scalar_prefetch = 0 : i64, scratch_operands = 7 : i64, tpu.core_type = #tpu.core_type<sc_vector_subcore>, window_params = [{transform_indices = #map}, {transform_indices = #map1}, {transform_indices = #map}, {transform_indices = #map1}]} {
    %mul3A = arith.constant 2 : i32
    %mul3A_0 = arith.muli %arg1, %mul3A : i32
    %add3A = arith.addi %mul3A_0, %arg0 : i32
    %mul3A_1 = arith.constant 9984 : i32
    %mul3A_2 = arith.muli %add3A, %mul3A_1 : i32
    %dma_start3A = tpu.memref_slice %arg2[%mul3A_2] : memref<320000xf32, #tpu.memory_space<hbm>> -> memref<9984xf32, #tpu.memory_space<hbm>>
    %dma_start3A_3 = tpu.memref_slice %arg2[%mul3A_2] : memref<320000xf32, #tpu.memory_space<hbm>> -> memref<9984xf32, #tpu.memory_space<hbm>>
    tpu.enqueue_dma source(%dma_start3A_3 : memref<9984xf32, #tpu.memory_space<hbm>>) target(%arg6 : memref<9984xf32, #tpu.memory_space<vmem>>) target_semaphore(%arg12 : memref<!tpu.dma_semaphore, #tpu.memory_space<semaphore_mem>>)
    %dma_start3A_4 = arith.constant 0 : i32
    %dma_start3A_5 = tpu.memref_slice %arg3[%dma_start3A_4, %mul3A_2] : memref<2x320000xi32, #tpu.memory_space<hbm>> -> memref<2x9984xi32, #tpu.memory_space<hbm>>
    %dma_start3A_6 = arith.constant 0 : i32
    %dma_start3A_7 = tpu.memref_slice %arg3[%dma_start3A_6, %mul3A_2] : memref<2x320000xi32, #tpu.memory_space<hbm>> -> memref<2x9984xi32, #tpu.memory_space<hbm>>
    tpu.enqueue_dma source(%dma_start3A_7 : memref<2x9984xi32, #tpu.memory_space<hbm>>) target(%arg7 : memref<2x9984xi32, #tpu.memory_space<vmem>>) target_semaphore(%arg12 : memref<!tpu.dma_semaphore, #tpu.memory_space<semaphore_mem>>)
    %lt3A = arith.constant 4 : i32
    %lt3A_8 = arith.cmpi slt, %add3A, %lt3A : i32
    %convert_element_type3A = arith.extui %lt3A_8 : i1 to i32
    %cond3A = arith.constant 0 : i32
    %cond3A_9 = arith.cmpi ne, %convert_element_type3A, %cond3A : i32
    scf.if %cond3A_9 {
      %mul3A_27 = arith.constant 128 : i32
      %mul3A_28 = arith.muli %add3A, %mul3A_27 : i32
      %add3A_29 = arith.constant 319488 : i32
      %add3A_30 = arith.addi %add3A_29, %mul3A_28 : i32
      %dma_start3A_31 = tpu.memref_slice %arg2[%add3A_30] : memref<320000xf32, #tpu.memory_space<hbm>> -> memref<128xf32, #tpu.memory_space<hbm>>
      %dma_start3A_32 = tpu.memref_slice %arg2[%add3A_30] : memref<320000xf32, #tpu.memory_space<hbm>> -> memref<128xf32, #tpu.memory_space<hbm>>
      tpu.enqueue_dma source(%dma_start3A_32 : memref<128xf32, #tpu.memory_space<hbm>>) target(%arg8 : memref<128xf32, #tpu.memory_space<vmem>>) target_semaphore(%arg12 : memref<!tpu.dma_semaphore, #tpu.memory_space<semaphore_mem>>)
      %dma_start3A_33 = arith.constant 0 : i32
      %dma_start3A_34 = tpu.memref_slice %arg3[%dma_start3A_33, %add3A_30] : memref<2x320000xi32, #tpu.memory_space<hbm>> -> memref<2x128xi32, #tpu.memory_space<hbm>>
      %dma_start3A_35 = arith.constant 0 : i32
      %dma_start3A_36 = tpu.memref_slice %arg3[%dma_start3A_35, %add3A_30] : memref<2x320000xi32, #tpu.memory_space<hbm>> -> memref<2x128xi32, #tpu.memory_space<hbm>>
      tpu.enqueue_dma source(%dma_start3A_36 : memref<2x128xi32, #tpu.memory_space<hbm>>) target(%arg9 : memref<2x128xi32, #tpu.memory_space<vmem>>) target_semaphore(%arg12 : memref<!tpu.dma_semaphore, #tpu.memory_space<semaphore_mem>>)
      %dma_wait3A_37 = tpu.memref_slice %arg2[%add3A_30] : memref<320000xf32, #tpu.memory_space<hbm>> -> memref<128xf32, #tpu.memory_space<hbm>>
      %dma_wait3A_38 = tpu.memref_slice %arg2[%add3A_30] : memref<320000xf32, #tpu.memory_space<hbm>> -> memref<128xf32, #tpu.memory_space<hbm>>
      tpu.wait_dma2 semaphore(%arg12 : memref<!tpu.dma_semaphore, #tpu.memory_space<semaphore_mem>>) src(%dma_wait3A_38 : memref<128xf32, #tpu.memory_space<hbm>>) dst(%arg8 : memref<128xf32, #tpu.memory_space<vmem>>)
      %dma_wait3A_39 = arith.constant 0 : i32
      %dma_wait3A_40 = tpu.memref_slice %arg3[%dma_wait3A_39, %add3A_30] : memref<2x320000xi32, #tpu.memory_space<hbm>> -> memref<2x128xi32, #tpu.memory_space<hbm>>
      %dma_wait3A_41 = arith.constant 0 : i32
      %dma_wait3A_42 = tpu.memref_slice %arg3[%dma_wait3A_41, %add3A_30] : memref<2x320000xi32, #tpu.memory_space<hbm>> -> memref<2x128xi32, #tpu.memory_space<hbm>>
      tpu.wait_dma2 semaphore(%arg12 : memref<!tpu.dma_semaphore, #tpu.memory_space<semaphore_mem>>) src(%dma_wait3A_42 : memref<2x128xi32, #tpu.memory_space<hbm>>) dst(%arg9 : memref<2x128xi32, #tpu.memory_space<vmem>>)
    } else {
    }
    %ge3A = arith.constant 4 : i32
    %ge3A_10 = arith.cmpi sge, %add3A, %ge3A : i32
    %convert_element_type3A_11 = arith.extui %ge3A_10 : i1 to i32
    %cond3A_12 = arith.constant 0 : i32
    %cond3A_13 = arith.cmpi ne, %convert_element_type3A_11, %cond3A_12 : i32
    scf.if %cond3A_13 {
      %broadcast_in_dim3A = arith.constant 0.000000e+00 : f32
      %broadcast_in_dim3A_27 = vector.broadcast %broadcast_in_dim3A : f32 to vector<16xf32>
      %swap3A = arith.constant 0 : index
      %swap3A_28 = tpu.vector_load %arg8[%swap3A] {strides = array<i32>} : memref<128xf32, #tpu.memory_space<vmem>>, vector<16xf32>,
      tpu.vector_store %arg8[%swap3A], %broadcast_in_dim3A_27 {strides = array<i32>} : memref<128xf32, #tpu.memory_space<vmem>>, vector<16xf32>,
      %broadcast_in_dim3A_29 = arith.constant 0 : i32
      %broadcast_in_dim3A_30 = vector.broadcast %broadcast_in_dim3A_29 : i32 to vector<16xi32>
      %swap3A_31 = arith.constant 0 : i32
      %swap3A_32 = arith.index_cast %swap3A_31 : i32 to index
      %swap3A_33 = arith.constant 0 : index
      %swap3A_34 = tpu.vector_load %arg9[%swap3A_32, %swap3A_33] {strides = array<i32>} : memref<2x128xi32, #tpu.memory_space<vmem>>, vector<16xi32>,
      tpu.vector_store %arg9[%swap3A_32, %swap3A_33], %broadcast_in_dim3A_30 {strides = array<i32>} : memref<2x128xi32, #tpu.memory_space<vmem>>, vector<16xi32>,
      %broadcast_in_dim3A_35 = arith.constant 0 : i32
      %broadcast_in_dim3A_36 = vector.broadcast %broadcast_in_dim3A_35 : i32 to vector<16xi32>
      %swap3A_37 = arith.constant 1 : i32
      %swap3A_38 = arith.index_cast %swap3A_37 : i32 to index
      %swap3A_39 = arith.constant 0 : index
      %swap3A_40 = tpu.vector_load %arg9[%swap3A_38, %swap3A_39] {strides = array<i32>} : memref<2x128xi32, #tpu.memory_space<vmem>>, vector<16xi32>,
      tpu.vector_store %arg9[%swap3A_38, %swap3A_39], %broadcast_in_dim3A_36 {strides = array<i32>} : memref<2x128xi32, #tpu.memory_space<vmem>>, vector<16xi32>,
      %broadcast_in_dim3A_41 = arith.constant 0.000000e+00 : f32
      %broadcast_in_dim3A_42 = vector.broadcast %broadcast_in_dim3A_41 : f32 to vector<16xf32>
      %swap3A_43 = arith.constant 16 : index
      %swap3A_44 = tpu.vector_load %arg8[%swap3A_43] {strides = array<i32>} : memref<128xf32, #tpu.memory_space<vmem>>, vector<16xf32>,
      tpu.vector_store %arg8[%swap3A_43], %broadcast_in_dim3A_42 {strides = array<i32>} : memref<128xf32, #tpu.memory_space<vmem>>, vector<16xf32>,
      %broadcast_in_dim3A_45 = arith.constant 0 : i32
      %broadcast_in_dim3A_46 = vector.broadcast %broadcast_in_dim3A_45 : i32 to vector<16xi32>
      %swap3A_47 = arith.constant 0 : i32
      %swap3A_48 = arith.index_cast %swap3A_47 : i32 to index
      %swap3A_49 = arith.constant 16 : index
      %swap3A_50 = tpu.vector_load %arg9[%swap3A_48, %swap3A_49] {strides = array<i32>} : memref<2x128xi32, #tpu.memory_space<vmem>>, vector<16xi32>,
      tpu.vector_store %arg9[%swap3A_48, %swap3A_49], %broadcast_in_dim3A_46 {strides = array<i32>} : memref<2x128xi32, #tpu.memory_space<vmem>>, vector<16xi32>,
      %broadcast_in_dim3A_51 = arith.constant 0 : i32
      %broadcast_in_dim3A_52 = vector.broadcast %broadcast_in_dim3A_51 : i32 to vector<16xi32>
      %swap3A_53 = arith.constant 1 : i32
      %swap3A_54 = arith.index_cast %swap3A_53 : i32 to index
      %swap3A_55 = arith.constant 16 : index
      %swap3A_56 = tpu.vector_load %arg9[%swap3A_54, %swap3A_55] {strides = array<i32>} : memref<2x128xi32, #tpu.memory_space<vmem>>, vector<16xi32>,
      tpu.vector_store %arg9[%swap3A_54, %swap3A_55], %broadcast_in_dim3A_52 {strides = array<i32>} : memref<2x128xi32, #tpu.memory_space<vmem>>, vector<16xi32>,
      %broadcast_in_dim3A_57 = arith.constant 0.000000e+00 : f32
      %broadcast_in_dim3A_58 = vector.broadcast %broadcast_in_dim3A_57 : f32 to vector<16xf32>
      %swap3A_59 = arith.constant 32 : index
      %swap3A_60 = tpu.vector_load %arg8[%swap3A_59] {strides = array<i32>} : memref<128xf32, #tpu.memory_space<vmem>>, vector<16xf32>,
      tpu.vector_store %arg8[%swap3A_59], %broadcast_in_dim3A_58 {strides = array<i32>} : memref<128xf32, #tpu.memory_space<vmem>>, vector<16xf32>,
      %broadcast_in_dim3A_61 = arith.constant 0 : i32
      %broadcast_in_dim3A_62 = vector.broadcast %broadcast_in_dim3A_61 : i32 to vector<16xi32>
      %swap3A_63 = arith.constant 0 : i32
      %swap3A_64 = arith.index_cast %swap3A_63 : i32 to index
      %swap3A_65 = arith.constant 32 : index
      %swap3A_66 = tpu.vector_load %arg9[%swap3A_64, %swap3A_65] {strides = array<i32>} : memref<2x128xi32, #tpu.memory_space<vmem>>, vector<16xi32>,
      tpu.vector_store %arg9[%swap3A_64, %swap3A_65], %broadcast_in_dim3A_62 {strides = array<i32>} : memref<2x128xi32, #tpu.memory_space<vmem>>, vector<16xi32>,
      %broadcast_in_dim3A_67 = arith.constant 0 : i32
      %broadcast_in_dim3A_68 = vector.broadcast %broadcast_in_dim3A_67 : i32 to vector<16xi32>
      %swap3A_69 = arith.constant 1 : i32
      %swap3A_70 = arith.index_cast %swap3A_69 : i32 to index
      %swap3A_71 = arith.constant 32 : index
      %swap3A_72 = tpu.vector_load %arg9[%swap3A_70, %swap3A_71] {strides = array<i32>} : memref<2x128xi32, #tpu.memory_space<vmem>>, vector<16xi32>,
      tpu.vector_store %arg9[%swap3A_70, %swap3A_71], %broadcast_in_dim3A_68 {strides = array<i32>} : memref<2x128xi32, #tpu.memory_space<vmem>>, vector<16xi32>,
      %broadcast_in_dim3A_73 = arith.constant 0.000000e+00 : f32
      %broadcast_in_dim3A_74 = vector.broadcast %broadcast_in_dim3A_73 : f32 to vector<16xf32>
      %swap3A_75 = arith.constant 48 : index
      %swap3A_76 = tpu.vector_load %arg8[%swap3A_75] {strides = array<i32>} : memref<128xf32, #tpu.memory_space<vmem>>, vector<16xf32>,
      tpu.vector_store %arg8[%swap3A_75], %broadcast_in_dim3A_74 {strides = array<i32>} : memref<128xf32, #tpu.memory_space<vmem>>, vector<16xf32>,
      %broadcast_in_dim3A_77 = arith.constant 0 : i32
      %broadcast_in_dim3A_78 = vector.broadcast %broadcast_in_dim3A_77 : i32 to vector<16xi32>
      %swap3A_79 = arith.constant 0 : i32
      %swap3A_80 = arith.index_cast %swap3A_79 : i32 to index
      %swap3A_81 = arith.constant 48 : index
      %swap3A_82 = tpu.vector_load %arg9[%swap3A_80, %swap3A_81] {strides = array<i32>} : memref<2x128xi32, #tpu.memory_space<vmem>>, vector<16xi32>,
      tpu.vector_store %arg9[%swap3A_80, %swap3A_81], %broadcast_in_dim3A_78 {strides = array<i32>} : memref<2x128xi32, #tpu.memory_space<vmem>>, vector<16xi32>,
      %broadcast_in_dim3A_83 = arith.constant 0 : i32
      %broadcast_in_dim3A_84 = vector.broadcast %broadcast_in_dim3A_83 : i32 to vector<16xi32>
      %swap3A_85 = arith.constant 1 : i32
      %swap3A_86 = arith.index_cast %swap3A_85 : i32 to index
      %swap3A_87 = arith.constant 48 : index
      %swap3A_88 = tpu.vector_load %arg9[%swap3A_86, %swap3A_87] {strides = array<i32>} : memref<2x128xi32, #tpu.memory_space<vmem>>, vector<16xi32>,
      tpu.vector_store %arg9[%swap3A_86, %swap3A_87], %broadcast_in_dim3A_84 {strides = array<i32>} : memref<2x128xi32, #tpu.memory_space<vmem>>, vector<16xi32>,
      %broadcast_in_dim3A_89 = arith.constant 0.000000e+00 : f32
      %broadcast_in_dim3A_90 = vector.broadcast %broadcast_in_dim3A_89 : f32 to vector<16xf32>
      %swap3A_91 = arith.constant 64 : index
      %swap3A_92 = tpu.vector_load %arg8[%swap3A_91] {strides = array<i32>} : memref<128xf32, #tpu.memory_space<vmem>>, vector<16xf32>,
      tpu.vector_store %arg8[%swap3A_91], %broadcast_in_dim3A_90 {strides = array<i32>} : memref<128xf32, #tpu.memory_space<vmem>>, vector<16xf32>,
      %broadcast_in_dim3A_93 = arith.constant 0 : i32
      %broadcast_in_dim3A_94 = vector.broadcast %broadcast_in_dim3A_93 : i32 to vector<16xi32>
      %swap3A_95 = arith.constant 0 : i32
      %swap3A_96 = arith.index_cast %swap3A_95 : i32 to index
      %swap3A_97 = arith.constant 64 : index
      %swap3A_98 = tpu.vector_load %arg9[%swap3A_96, %swap3A_97] {strides = array<i32>} : memref<2x128xi32, #tpu.memory_space<vmem>>, vector<16xi32>,
      tpu.vector_store %arg9[%swap3A_96, %swap3A_97], %broadcast_in_dim3A_94 {strides = array<i32>} : memref<2x128xi32, #tpu.memory_space<vmem>>, vector<16xi32>,
      %broadcast_in_dim3A_99 = arith.constant 0 : i32
      %broadcast_in_dim3A_100 = vector.broadcast %broadcast_in_dim3A_99 : i32 to vector<16xi32>
      %swap3A_101 = arith.constant 1 : i32
      %swap3A_102 = arith.index_cast %swap3A_101 : i32 to index
      %swap3A_103 = arith.constant 64 : index
      %swap3A_104 = tpu.vector_load %arg9[%swap3A_102, %swap3A_103] {strides = array<i32>} : memref<2x128xi32, #tpu.memory_space<vmem>>, vector<16xi32>,
      tpu.vector_store %arg9[%swap3A_102, %swap3A_103], %broadcast_in_dim3A_100 {strides = array<i32>} : memref<2x128xi32, #tpu.memory_space<vmem>>, vector<16xi32>,
      %broadcast_in_dim3A_105 = arith.constant 0.000000e+00 : f32
      %broadcast_in_dim3A_106 = vector.broadcast %broadcast_in_dim3A_105 : f32 to vector<16xf32>
      %swap3A_107 = arith.constant 80 : index
      %swap3A_108 = tpu.vector_load %arg8[%swap3A_107] {strides = array<i32>} : memref<128xf32, #tpu.memory_space<vmem>>, vector<16xf32>,
      tpu.vector_store %arg8[%swap3A_107], %broadcast_in_dim3A_106 {strides = array<i32>} : memref<128xf32, #tpu.memory_space<vmem>>, vector<16xf32>,
      %broadcast_in_dim3A_109 = arith.constant 0 : i32
      %broadcast_in_dim3A_110 = vector.broadcast %broadcast_in_dim3A_109 : i32 to vector<16xi32>
      %swap3A_111 = arith.constant 0 : i32
      %swap3A_112 = arith.index_cast %swap3A_111 : i32 to index
      %swap3A_113 = arith.constant 80 : index
      %swap3A_114 = tpu.vector_load %arg9[%swap3A_112, %swap3A_113] {strides = array<i32>} : memref<2x128xi32, #tpu.memory_space<vmem>>, vector<16xi32>,
      tpu.vector_store %arg9[%swap3A_112, %swap3A_113], %broadcast_in_dim3A_110 {strides = array<i32>} : memref<2x128xi32, #tpu.memory_space<vmem>>, vector<16xi32>,
      %broadcast_in_dim3A_115 = arith.constant 0 : i32
      %broadcast_in_dim3A_116 = vector.broadcast %broadcast_in_dim3A_115 : i32 to vector<16xi32>
      %swap3A_117 = arith.constant 1 : i32
      %swap3A_118 = arith.index_cast %swap3A_117 : i32 to index
      %swap3A_119 = arith.constant 80 : index
      %swap3A_120 = tpu.vector_load %arg9[%swap3A_118, %swap3A_119] {strides = array<i32>} : memref<2x128xi32, #tpu.memory_space<vmem>>, vector<16xi32>,
      tpu.vector_store %arg9[%swap3A_118, %swap3A_119], %broadcast_in_dim3A_116 {strides = array<i32>} : memref<2x128xi32, #tpu.memory_space<vmem>>, vector<16xi32>,
      %broadcast_in_dim3A_121 = arith.constant 0.000000e+00 : f32
      %broadcast_in_dim3A_122 = vector.broadcast %broadcast_in_dim3A_121 : f32 to vector<16xf32>
      %swap3A_123 = arith.constant 96 : index
      %swap3A_124 = tpu.vector_load %arg8[%swap3A_123] {strides = array<i32>} : memref<128xf32, #tpu.memory_space<vmem>>, vector<16xf32>,
      tpu.vector_store %arg8[%swap3A_123], %broadcast_in_dim3A_122 {strides = array<i32>} : memref<128xf32, #tpu.memory_space<vmem>>, vector<16xf32>,
      %broadcast_in_dim3A_125 = arith.constant 0 : i32
      %broadcast_in_dim3A_126 = vector.broadcast %broadcast_in_dim3A_125 : i32 to vector<16xi32>
      %swap3A_127 = arith.constant 0 : i32
      %swap3A_128 = arith.index_cast %swap3A_127 : i32 to index
      %swap3A_129 = arith.constant 96 : index
      %swap3A_130 = tpu.vector_load %arg9[%swap3A_128, %swap3A_129] {strides = array<i32>} : memref<2x128xi32, #tpu.memory_space<vmem>>, vector<16xi32>,
      tpu.vector_store %arg9[%swap3A_128, %swap3A_129], %broadcast_in_dim3A_126 {strides = array<i32>} : memref<2x128xi32, #tpu.memory_space<vmem>>, vector<16xi32>,
      %broadcast_in_dim3A_131 = arith.constant 0 : i32
      %broadcast_in_dim3A_132 = vector.broadcast %broadcast_in_dim3A_131 : i32 to vector<16xi32>
      %swap3A_133 = arith.constant 1 : i32
      %swap3A_134 = arith.index_cast %swap3A_133 : i32 to index
      %swap3A_135 = arith.constant 96 : index
      %swap3A_136 = tpu.vector_load %arg9[%swap3A_134, %swap3A_135] {strides = array<i32>} : memref<2x128xi32, #tpu.memory_space<vmem>>, vector<16xi32>,
      tpu.vector_store %arg9[%swap3A_134, %swap3A_135], %broadcast_in_dim3A_132 {strides = array<i32>} : memref<2x128xi32, #tpu.memory_space<vmem>>, vector<16xi32>,
      %broadcast_in_dim3A_137 = arith.constant 0.000000e+00 : f32
      %broadcast_in_dim3A_138 = vector.broadcast %broadcast_in_dim3A_137 : f32 to vector<16xf32>
      %swap3A_139 = arith.constant 112 : index
      %swap3A_140 = tpu.vector_load %arg8[%swap3A_139] {strides = array<i32>} : memref<128xf32, #tpu.memory_space<vmem>>, vector<16xf32>,
      tpu.vector_store %arg8[%swap3A_139], %broadcast_in_dim3A_138 {strides = array<i32>} : memref<128xf32, #tpu.memory_space<vmem>>, vector<16xf32>,
      %broadcast_in_dim3A_141 = arith.constant 0 : i32
      %broadcast_in_dim3A_142 = vector.broadcast %broadcast_in_dim3A_141 : i32 to vector<16xi32>
      %swap3A_143 = arith.constant 0 : i32
      %swap3A_144 = arith.index_cast %swap3A_143 : i32 to index
      %swap3A_145 = arith.constant 112 : index
      %swap3A_146 = tpu.vector_load %arg9[%swap3A_144, %swap3A_145] {strides = array<i32>} : memref<2x128xi32, #tpu.memory_space<vmem>>, vector<16xi32>,
      tpu.vector_store %arg9[%swap3A_144, %swap3A_145], %broadcast_in_dim3A_142 {strides = array<i32>} : memref<2x128xi32, #tpu.memory_space<vmem>>, vector<16xi32>,
      %broadcast_in_dim3A_147 = arith.constant 0 : i32
      %broadcast_in_dim3A_148 = vector.broadcast %broadcast_in_dim3A_147 : i32 to vector<16xi32>
      %swap3A_149 = arith.constant 1 : i32
      %swap3A_150 = arith.index_cast %swap3A_149 : i32 to index
      %swap3A_151 = arith.constant 112 : index
      %swap3A_152 = tpu.vector_load %arg9[%swap3A_150, %swap3A_151] {strides = array<i32>} : memref<2x128xi32, #tpu.memory_space<vmem>>, vector<16xi32>,
      tpu.vector_store %arg9[%swap3A_150, %swap3A_151], %broadcast_in_dim3A_148 {strides = array<i32>} : memref<2x128xi32, #tpu.memory_space<vmem>>, vector<16xi32>,
    } else {
    }
    tpu.enqueue_dma source(%arg4 : memref<10240xf32, #tpu.memory_space<hbm>>) target(%arg10 : memref<10240xf32, #tpu.memory_space<vmem>>) target_semaphore(%arg12 : memref<!tpu.dma_semaphore, #tpu.memory_space<semaphore_mem>>)
    %parallel_loop3A = arith.constant 0 : i32
    %parallel_loop3A_14 = arith.constant 640 : i32
    %parallel_loop3A_15 = arith.constant 1 : i32
    scf.for %parallel_loop3A_27 = %parallel_loop3A to %parallel_loop3A_14 step %parallel_loop3A_15  : i32 {
      %parallel_loop3A_28 = arith.constant 0.000000e+00 : f32
      %parallel_loop3A_29 = vector.broadcast %parallel_loop3A_28 : f32 to vector<16xf32>
      %parallel_loop3A_30 = arith.constant 16 : i32
      %parallel_loop3A_31 = arith.muli %parallel_loop3A_27, %parallel_loop3A_30 : i32
      %parallel_loop3A_32 = arith.index_cast %parallel_loop3A_31 : i32 to index
      %parallel_loop3A_33 = tpu.vector_load %arg11[%parallel_loop3A_32] {strides = array<i32>} : memref<10240xf32, #tpu.memory_space<vmem>>, vector<16xf32>,
      tpu.vector_store %arg11[%parallel_loop3A_32], %parallel_loop3A_29 {strides = array<i32>} : memref<10240xf32, #tpu.memory_space<vmem>>, vector<16xf32>,
    } {sc.loop_unroll_factor = 8 : i64, sc.parallel_access}
    %dma_wait3A = tpu.memref_slice %arg2[%mul3A_2] : memref<320000xf32, #tpu.memory_space<hbm>> -> memref<9984xf32, #tpu.memory_space<hbm>>
    %dma_wait3A_16 = tpu.memref_slice %arg2[%mul3A_2] : memref<320000xf32, #tpu.memory_space<hbm>> -> memref<9984xf32, #tpu.memory_space<hbm>>
    tpu.wait_dma2 semaphore(%arg12 : memref<!tpu.dma_semaphore, #tpu.memory_space<semaphore_mem>>) src(%dma_wait3A_16 : memref<9984xf32, #tpu.memory_space<hbm>>) dst(%arg6 : memref<9984xf32, #tpu.memory_space<vmem>>)
    %dma_wait3A_17 = arith.constant 0 : i32
    %dma_wait3A_18 = tpu.memref_slice %arg3[%dma_wait3A_17, %mul3A_2] : memref<2x320000xi32, #tpu.memory_space<hbm>> -> memref<2x9984xi32, #tpu.memory_space<hbm>>
    %dma_wait3A_19 = arith.constant 0 : i32
    %dma_wait3A_20 = tpu.memref_slice %arg3[%dma_wait3A_19, %mul3A_2] : memref<2x320000xi32, #tpu.memory_space<hbm>> -> memref<2x9984xi32, #tpu.memory_space<hbm>>
    tpu.wait_dma2 semaphore(%arg12 : memref<!tpu.dma_semaphore, #tpu.memory_space<semaphore_mem>>) src(%dma_wait3A_20 : memref<2x9984xi32, #tpu.memory_space<hbm>>) dst(%arg7 : memref<2x9984xi32, #tpu.memory_space<vmem>>)
    tpu.wait_dma2 semaphore(%arg12 : memref<!tpu.dma_semaphore, #tpu.memory_space<semaphore_mem>>) src(%arg4 : memref<10240xf32, #tpu.memory_space<hbm>>) dst(%arg10 : memref<10240xf32, #tpu.memory_space<vmem>>)
    %parallel_loop3A_21 = arith.constant 0 : i32
    %parallel_loop3A_22 = arith.constant 624 : i32
    %parallel_loop3A_23 = arith.constant 1 : i32
    scf.for %parallel_loop3A_27 = %parallel_loop3A_21 to %parallel_loop3A_22 step %parallel_loop3A_23  : i32 {
      %parallel_loop3A_28 = arith.constant 16 : i32
      %parallel_loop3A_29 = arith.muli %parallel_loop3A_27, %parallel_loop3A_28 : i32
      %parallel_loop3A_30 = arith.index_cast %parallel_loop3A_29 : i32 to index
      %parallel_loop3A_31 = tpu.vector_load %arg6[%parallel_loop3A_30] {strides = array<i32>} : memref<9984xf32, #tpu.memory_space<vmem>>, vector<16xf32>,
      %parallel_loop3A_32 = arith.constant 16 : i32
      %parallel_loop3A_33 = arith.muli %parallel_loop3A_27, %parallel_loop3A_32 : i32
      %parallel_loop3A_34 = arith.constant 0 : i32
      %parallel_loop3A_35 = arith.index_cast %parallel_loop3A_34 : i32 to index
      %parallel_loop3A_36 = arith.index_cast %parallel_loop3A_33 : i32 to index
      %parallel_loop3A_37 = tpu.vector_load %arg7[%parallel_loop3A_35, %parallel_loop3A_36] {strides = array<i32>} : memref<2x9984xi32, #tpu.memory_space<vmem>>, vector<16xi32>,
      %parallel_loop3A_38 = arith.constant 16 : i32
      %parallel_loop3A_39 = arith.muli %parallel_loop3A_27, %parallel_loop3A_38 : i32
      %parallel_loop3A_40 = arith.constant 1 : i32
      %parallel_loop3A_41 = arith.index_cast %parallel_loop3A_40 : i32 to index
      %parallel_loop3A_42 = arith.index_cast %parallel_loop3A_39 : i32 to index
      %parallel_loop3A_43 = tpu.vector_load %arg7[%parallel_loop3A_41, %parallel_loop3A_42] {strides = array<i32>} : memref<2x9984xi32, #tpu.memory_space<vmem>>, vector<16xi32>,
      %parallel_loop3A_44 = tpu.vector_load_idx %arg10[%parallel_loop3A_37] : memref<10240xf32, #tpu.memory_space<vmem>>[vector<16xi32>], vector<16xf32>,
      %parallel_loop3A_45 = arith.mulf %parallel_loop3A_31, %parallel_loop3A_44 : vector<16xf32>
      tpu.vector_store_idx %arg11[%parallel_loop3A_43], %parallel_loop3A_45 {add = true} : memref<10240xf32, #tpu.memory_space<vmem>>[vector<16xi32>], vector<16xf32>,
    } {sc.loop_unroll_factor = 4 : i64, sc.parallel_access}
    %parallel_loop3A_24 = arith.constant 0 : i32
    %parallel_loop3A_25 = arith.constant 8 : i32
    %parallel_loop3A_26 = arith.constant 1 : i32
    scf.for %parallel_loop3A_27 = %parallel_loop3A_24 to %parallel_loop3A_25 step %parallel_loop3A_26  : i32 {
      %parallel_loop3A_28 = arith.constant 16 : i32
      %parallel_loop3A_29 = arith.muli %parallel_loop3A_27, %parallel_loop3A_28 : i32
      %parallel_loop3A_30 = arith.index_cast %parallel_loop3A_29 : i32 to index
      %parallel_loop3A_31 = tpu.vector_load %arg8[%parallel_loop3A_30] {strides = array<i32>} : memref<128xf32, #tpu.memory_space<vmem>>, vector<16xf32>,
      %parallel_loop3A_32 = arith.constant 16 : i32
      %parallel_loop3A_33 = arith.muli %parallel_loop3A_27, %parallel_loop3A_32 : i32
      %parallel_loop3A_34 = arith.constant 0 : i32
      %parallel_loop3A_35 = arith.index_cast %parallel_loop3A_34 : i32 to index
      %parallel_loop3A_36 = arith.index_cast %parallel_loop3A_33 : i32 to index
      %parallel_loop3A_37 = tpu.vector_load %arg9[%parallel_loop3A_35, %parallel_loop3A_36] {strides = array<i32>} : memref<2x128xi32, #tpu.memory_space<vmem>>, vector<16xi32>,
      %parallel_loop3A_38 = arith.constant 16 : i32
      %parallel_loop3A_39 = arith.muli %parallel_loop3A_27, %parallel_loop3A_38 : i32
      %parallel_loop3A_40 = arith.constant 1 : i32
      %parallel_loop3A_41 = arith.index_cast %parallel_loop3A_40 : i32 to index
      %parallel_loop3A_42 = arith.index_cast %parallel_loop3A_39 : i32 to index
      %parallel_loop3A_43 = tpu.vector_load %arg9[%parallel_loop3A_41, %parallel_loop3A_42] {strides = array<i32>} : memref<2x128xi32, #tpu.memory_space<vmem>>, vector<16xi32>,
      %parallel_loop3A_44 = tpu.vector_load_idx %arg10[%parallel_loop3A_37] : memref<10240xf32, #tpu.memory_space<vmem>>[vector<16xi32>], vector<16xf32>,
      %parallel_loop3A_45 = arith.mulf %parallel_loop3A_31, %parallel_loop3A_44 : vector<16xf32>
      tpu.vector_store_idx %arg11[%parallel_loop3A_43], %parallel_loop3A_45 {add = true} : memref<10240xf32, #tpu.memory_space<vmem>>[vector<16xi32>], vector<16xf32>,
    } {sc.loop_unroll_factor = 4 : i64, sc.parallel_access}
    "tpu.region"() ({
      %run_scoped3A = tpu.sem_alloc : memref<!tpu.dma_semaphore, #tpu.memory_space<semaphore_mem>>
      %dma_start3A_27 = arith.constant 0 : i32
      %dma_start3A_28 = tpu.memref_slice %arg5[%add3A, %dma_start3A_27] : memref<32x10240xf32, #tpu.memory_space<hbm>> -> memref<1x10240xf32, #tpu.memory_space<hbm>>
      %dma_start3A_29 = tpu.memref_squeeze %dma_start3A_28 : memref<1x10240xf32, #tpu.memory_space<hbm>> -> memref<10240xf32, #tpu.memory_space<hbm>>
      %dma_start3A_30 = arith.constant 0 : i32
      %dma_start3A_31 = tpu.memref_slice %arg5[%add3A, %dma_start3A_30] : memref<32x10240xf32, #tpu.memory_space<hbm>> -> memref<1x10240xf32, #tpu.memory_space<hbm>>
      %dma_start3A_32 = tpu.memref_squeeze %dma_start3A_31 : memref<1x10240xf32, #tpu.memory_space<hbm>> -> memref<10240xf32, #tpu.memory_space<hbm>>
      tpu.enqueue_dma source(%arg11 : memref<10240xf32, #tpu.memory_space<vmem>>) target(%dma_start3A_32 : memref<10240xf32, #tpu.memory_space<hbm>>) target_semaphore(%run_scoped3A : memref<!tpu.dma_semaphore, #tpu.memory_space<semaphore_mem>>)
      %dma_wait3A_33 = arith.constant 0 : i32
      %dma_wait3A_34 = tpu.memref_slice %arg5[%add3A, %dma_wait3A_33] : memref<32x10240xf32, #tpu.memory_space<hbm>> -> memref<1x10240xf32, #tpu.memory_space<hbm>>
      %dma_wait3A_35 = tpu.memref_squeeze %dma_wait3A_34 : memref<1x10240xf32, #tpu.memory_space<hbm>> -> memref<10240xf32, #tpu.memory_space<hbm>>
      %dma_wait3A_36 = arith.constant 0 : i32
      %dma_wait3A_37 = tpu.memref_slice %arg5[%add3A, %dma_wait3A_36] : memref<32x10240xf32, #tpu.memory_space<hbm>> -> memref<1x10240xf32, #tpu.memory_space<hbm>>
      %dma_wait3A_38 = tpu.memref_squeeze %dma_wait3A_37 : memref<1x10240xf32, #tpu.memory_space<hbm>> -> memref<10240xf32, #tpu.memory_space<hbm>>
      tpu.wait_dma2 semaphore(%run_scoped3A : memref<!tpu.dma_semaphore, #tpu.memory_space<semaphore_mem>>) src(%arg11 : memref<10240xf32, #tpu.memory_space<vmem>>) dst(%dma_wait3A_38 : memref<10240xf32, #tpu.memory_space<hbm>>)
      tpu.yield
    }) : () -> ()
    return
  }
}

module attributes {stable_mosaic.version = 14 : i64} {
  func.func @_g2_body(%arg0: memref<32x10240xf32, #tpu.memory_space<vmem>>, %arg1: memref<32x10240xf32, #tpu.memory_space<vmem>>, %arg2: memref<1x10240xf32, #tpu.memory_space<vmem>>, %arg3: memref<1x10240xf32, #tpu.memory_space<vmem>>) attributes {dimension_semantics = [], scalar_prefetch = 0 : i64, scratch_operands = 0 : i64, tpu.core_type = #tpu.core_type<tc>} {
    %get3A = arith.constant 0 : index
    %get3A_0 = arith.constant 0 : index
    %get3A_1 = vector.load %arg0[%get3A, %get3A_0] : memref<32x10240xf32, #tpu.memory_space<vmem>>, vector<32x10240xf32>
    %reduce_sum3A = arith.constant dense<0.000000e+00> : vector<10240xf32>
    %reduce_sum3A_2 = vector.multi_reduction <add>, %get3A_1, %reduce_sum3A [0] : vector<32x10240xf32> to vector<10240xf32>
    %broadcast_in_dim3A = vector.shape_cast %reduce_sum3A_2 : vector<10240xf32> to vector<1x10240xf32>
    %get3A_3 = arith.constant 0 : index
    %get3A_4 = arith.constant 0 : index
    %get3A_5 = vector.load %arg1[%get3A_3, %get3A_4] : memref<32x10240xf32, #tpu.memory_space<vmem>>, vector<32x10240xf32>
    %reduce_sum3A_6 = arith.constant dense<0.000000e+00> : vector<10240xf32>
    %reduce_sum3A_7 = vector.multi_reduction <add>, %get3A_5, %reduce_sum3A_6 [0] : vector<32x10240xf32> to vector<10240xf32>
    %broadcast_in_dim3A_8 = vector.shape_cast %reduce_sum3A_7 : vector<10240xf32> to vector<1x10240xf32>
    %div3A = arith.constant 1.000000e+00 : f32
    %div3A_9 = vector.broadcast %div3A : f32 to vector<1x10240xf32>
    %div3A_10 = arith.divf %div3A_9, %broadcast_in_dim3A : vector<1x10240xf32>
    %abs3A = math.absf %div3A_10 : vector<1x10240xf32>
    %eq3A = arith.constant 0x7F800000 : f32
    %eq3A_11 = vector.broadcast %eq3A : f32 to vector<1x10240xf32>
    %eq3A_12 = arith.cmpf oeq, %abs3A, %eq3A_11 : vector<1x10240xf32>
    %jit3A = arith.constant 0.000000e+00 : f32
    %broadcast_in_dim3A_13 = vector.broadcast %jit3A : f32 to vector<1x10240xf32>
    %select_n3A = arith.select %eq3A_12, %broadcast_in_dim3A_13, %div3A_10 : vector<1x10240xi1>, vector<1x10240xf32>
    %swap3A = arith.constant 0 : index
    %swap3A_14 = arith.constant 0 : index
    %swap3A_15 = vector.load %arg2[%swap3A, %swap3A_14] : memref<1x10240xf32, #tpu.memory_space<vmem>>, vector<1x10240xf32>
    tpu.vector_store %arg2[%swap3A, %swap3A_14], %select_n3A {strides = array<i32>} : memref<1x10240xf32, #tpu.memory_space<vmem>>, vector<1x10240xf32>,
    %mul3A = arith.mulf %select_n3A, %broadcast_in_dim3A_8 : vector<1x10240xf32>
    %swap3A_16 = arith.constant 0 : index
    %swap3A_17 = arith.constant 0 : index
    %swap3A_18 = vector.load %arg3[%swap3A_16, %swap3A_17] : memref<1x10240xf32, #tpu.memory_space<vmem>>, vector<1x10240xf32>
    tpu.vector_store %arg3[%swap3A_16, %swap3A_17], %mul3A {strides = array<i32>} : memref<1x10240xf32, #tpu.memory_space<vmem>>, vector<1x10240xf32>,
    return
  }
}

module attributes {stable_mosaic.version = 14 : i64} {
  func.func @_g1_body(%arg0: memref<32x10240xf32, #tpu.memory_space<vmem>>, %arg1: memref<32x10240xf32, #tpu.memory_space<vmem>>, %arg2: memref<1x10240xf32, #tpu.memory_space<vmem>>, %arg3: memref<1x10240xf32, #tpu.memory_space<vmem>>, %arg4: memref<1x10240xf32, #tpu.memory_space<vmem>>, %arg5: memref<1x10240xf32, #tpu.memory_space<vmem>>) attributes {dimension_semantics = [], scalar_prefetch = 0 : i64, scratch_operands = 0 : i64, tpu.core_type = #tpu.core_type<tc>} {
    %get3A = arith.constant 0 : index
    %get3A_0 = arith.constant 0 : index
    %get3A_1 = vector.load %arg0[%get3A, %get3A_0] : memref<32x10240xf32, #tpu.memory_space<vmem>>, vector<32x10240xf32>
    %reduce_sum3A = arith.constant dense<0.000000e+00> : vector<10240xf32>
    %reduce_sum3A_2 = vector.multi_reduction <add>, %get3A_1, %reduce_sum3A [0] : vector<32x10240xf32> to vector<10240xf32>
    %broadcast_in_dim3A = vector.shape_cast %reduce_sum3A_2 : vector<10240xf32> to vector<1x10240xf32>
    %get3A_3 = arith.constant 0 : index
    %get3A_4 = arith.constant 0 : index
    %get3A_5 = vector.load %arg1[%get3A_3, %get3A_4] : memref<32x10240xf32, #tpu.memory_space<vmem>>, vector<32x10240xf32>
    %reduce_sum3A_6 = arith.constant dense<0.000000e+00> : vector<10240xf32>
    %reduce_sum3A_7 = vector.multi_reduction <add>, %get3A_5, %reduce_sum3A_6 [0] : vector<32x10240xf32> to vector<10240xf32>
    %broadcast_in_dim3A_8 = vector.shape_cast %reduce_sum3A_7 : vector<10240xf32> to vector<1x10240xf32>
    %div3A = arith.constant 1.000000e+00 : f32
    %div3A_9 = vector.broadcast %div3A : f32 to vector<1x10240xf32>
    %div3A_10 = arith.divf %div3A_9, %broadcast_in_dim3A : vector<1x10240xf32>
    %abs3A = math.absf %div3A_10 : vector<1x10240xf32>
    %eq3A = arith.constant 0x7F800000 : f32
    %eq3A_11 = vector.broadcast %eq3A : f32 to vector<1x10240xf32>
    %eq3A_12 = arith.cmpf oeq, %abs3A, %eq3A_11 : vector<1x10240xf32>
    %jit3A = arith.constant 0.000000e+00 : f32
    %broadcast_in_dim3A_13 = vector.broadcast %jit3A : f32 to vector<1x10240xf32>
    %select_n3A = arith.select %eq3A_12, %broadcast_in_dim3A_13, %div3A_10 : vector<1x10240xi1>, vector<1x10240xf32>
    %swap3A = arith.constant 0 : index
    %swap3A_14 = arith.constant 0 : index
    %swap3A_15 = vector.load %arg3[%swap3A, %swap3A_14] : memref<1x10240xf32, #tpu.memory_space<vmem>>, vector<1x10240xf32>
    tpu.vector_store %arg3[%swap3A, %swap3A_14], %select_n3A {strides = array<i32>} : memref<1x10240xf32, #tpu.memory_space<vmem>>, vector<1x10240xf32>,
    %mul3A = arith.mulf %select_n3A, %broadcast_in_dim3A_8 : vector<1x10240xf32>
    %swap3A_16 = arith.constant 0 : index
    %swap3A_17 = arith.constant 0 : index
    %swap3A_18 = vector.load %arg4[%swap3A_16, %swap3A_17] : memref<1x10240xf32, #tpu.memory_space<vmem>>, vector<1x10240xf32>
    tpu.vector_store %arg4[%swap3A_16, %swap3A_17], %mul3A {strides = array<i32>} : memref<1x10240xf32, #tpu.memory_space<vmem>>, vector<1x10240xf32>,
    %get3A_19 = arith.constant 0 : index
    %get3A_20 = arith.constant 0 : index
    %get3A_21 = vector.load %arg2[%get3A_19, %get3A_20] : memref<1x10240xf32, #tpu.memory_space<vmem>>, vector<1x10240xf32>
    %mul3A_22 = arith.mulf %select_n3A, %get3A_21 : vector<1x10240xf32>
    %swap3A_23 = arith.constant 0 : index
    %swap3A_24 = arith.constant 0 : index
    %swap3A_25 = vector.load %arg5[%swap3A_23, %swap3A_24] : memref<1x10240xf32, #tpu.memory_space<vmem>>, vector<1x10240xf32>
    tpu.vector_store %arg5[%swap3A_23, %swap3A_24], %mul3A_22 {strides = array<i32>} : memref<1x10240xf32, #tpu.memory_space<vmem>>, vector<1x10240xf32>,
    return
  }
}

module attributes {stable_mosaic.version = 14 : i64} {
  func.func @_emb_body(%arg0: memref<1x10240xf32, #tpu.memory_space<vmem>>, %arg1: memref<1x128xf32, #tpu.memory_space<vmem>>, %arg2: memref<1x128xf32, #tpu.memory_space<vmem>>, %arg3: memref<10000x128xf32, #tpu.memory_space<vmem>>) attributes {dimension_semantics = [], scalar_prefetch = 0 : i64, scratch_operands = 0 : i64, tpu.core_type = #tpu.core_type<tc>} {
    %get3A = arith.constant 0 : index
    %get3A_0 = arith.constant 0 : index
    %get3A_1 = vector.load %arg0[%get3A, %get3A_0] : memref<1x10240xf32, #tpu.memory_space<vmem>>, vector<1x10000xf32>
    %get3A_2 = arith.constant 0 : index
    %get3A_3 = arith.constant 0 : index
    %get3A_4 = vector.load %arg1[%get3A_2, %get3A_3] : memref<1x128xf32, #tpu.memory_space<vmem>>, vector<1x128xf32>
    %dot_general3A = arith.constant dense<0.000000e+00> : vector<10000x128xf32>
    %dot_general3A_5 = tpu.matmul %get3A_1, %get3A_4, %dot_general3A {dimension_numbers = #tpu.dot_dimension_numbers<[0], [0], [1], [1], [0, 1, 1, 1], [], []>, transpose_lhs_hint = false} : vector<1x10000xf32>, vector<1x128xf32>, vector<10000x128xf32> -> vector<10000x128xf32>
    %get3A_6 = arith.constant 0 : index
    %get3A_7 = arith.constant 0 : index
    %get3A_8 = vector.load %arg2[%get3A_6, %get3A_7] : memref<1x128xf32, #tpu.memory_space<vmem>>, vector<1x128xf32>
    %add3A = vector.broadcast %get3A_8 : vector<1x128xf32> to vector<10000x128xf32>
    %add3A_9 = arith.addf %dot_general3A_5, %add3A : vector<10000x128xf32>
    %swap3A = arith.constant 0 : index
    %swap3A_10 = arith.constant 0 : index
    %swap3A_11 = vector.load %arg3[%swap3A, %swap3A_10] : memref<10000x128xf32, #tpu.memory_space<vmem>>, vector<10000x128xf32>
    tpu.vector_store %arg3[%swap3A, %swap3A_10], %add3A_9 {strides = array<i32>} : memref<10000x128xf32, #tpu.memory_space<vmem>>, vector<10000x128xf32>,
    return
  }
}

module attributes {stable_mosaic.version = 14 : i64} {
  func.func @_final_body(%arg0: memref<32x10240xf32, #tpu.memory_space<vmem>>, %arg1: memref<1x10240xf32, #tpu.memory_space<vmem>>, %arg2: memref<1x10240xf32, #tpu.memory_space<vmem>>, %arg3: memref<1x10240xf32, #tpu.memory_space<vmem>>, %arg4: memref<1x10240xf32, #tpu.memory_space<vmem>>, %arg5: memref<1x10240xf32, #tpu.memory_space<vmem>>, %arg6: memref<128x128xf32, #tpu.memory_space<vmem>>, %arg7: memref<1x128xf32, #tpu.memory_space<vmem>>, %arg8: memref<1x128xf32, #tpu.memory_space<vmem>>, %arg9: memref<1x128xf32, #tpu.memory_space<vmem>>, %arg10: memref<10000x128xf32, #tpu.memory_space<vmem>>, %arg11: memref<10000x128xf32, #tpu.memory_space<vmem>>) attributes {dimension_semantics = [], scalar_prefetch = 0 : i64, scratch_operands = 0 : i64, tpu.core_type = #tpu.core_type<tc>} {
    %get3A = arith.constant 0 : index
    %get3A_0 = arith.constant 0 : index
    %get3A_1 = vector.load %arg8[%get3A, %get3A_0] : memref<1x128xf32, #tpu.memory_space<vmem>>, vector<1x128xf32>
    %get3A_2 = arith.constant 0 : index
    %get3A_3 = arith.constant 0 : index
    %get3A_4 = vector.load %arg9[%get3A_2, %get3A_3] : memref<1x128xf32, #tpu.memory_space<vmem>>, vector<1x128xf32>
    %get3A_5 = arith.constant 0 : index
    %get3A_6 = arith.constant 0 : index
    %get3A_7 = vector.load %arg0[%get3A_5, %get3A_6] : memref<32x10240xf32, #tpu.memory_space<vmem>>, vector<32x10240xf32>
    %reduce_sum3A = arith.constant dense<0.000000e+00> : vector<10240xf32>
    %reduce_sum3A_8 = vector.multi_reduction <add>, %get3A_7, %reduce_sum3A [0] : vector<32x10240xf32> to vector<10240xf32>
    %broadcast_in_dim3A = vector.shape_cast %reduce_sum3A_8 : vector<10240xf32> to vector<1x10240xf32>
    %get3A_9 = arith.constant 0 : index
    %get3A_10 = arith.constant 0 : index
    %get3A_11 = vector.load %arg1[%get3A_9, %get3A_10] : memref<1x10240xf32, #tpu.memory_space<vmem>>, vector<1x10240xf32>
    %mul3A = arith.mulf %get3A_11, %broadcast_in_dim3A : vector<1x10240xf32>
    %reduce_sum3A_12 = vector.shape_cast %mul3A : vector<1x10240xf32> to vector<1x1x10240xf32>
    %reduce_sum3A_13 = arith.constant dense<0.000000e+00> : vector<1xf32>
    %reduce_sum3A_14 = vector.multi_reduction <add>, %reduce_sum3A_12, %reduce_sum3A_13 [1, 2] : vector<1x1x10240xf32> to vector<1xf32>
    %reduce_sum3A_15 = vector.shape_cast %reduce_sum3A_14 : vector<1xf32> to vector<1x1x1xf32>
    %reduce_sum3A_16 = vector.extract %reduce_sum3A_15[0, 0, 0] : f32 from vector<1x1x1xf32>
    %div3A = arith.constant 1.000000e+04 : f32
    %div3A_17 = arith.divf %reduce_sum3A_16, %div3A : f32
    %get3A_18 = arith.constant 0 : index
    %get3A_19 = arith.constant 0 : index
    %get3A_20 = vector.load %arg4[%get3A_18, %get3A_19] : memref<1x10240xf32, #tpu.memory_space<vmem>>, vector<1x10240xf32>
    %reduce_sum3A_21 = vector.shape_cast %get3A_20 : vector<1x10240xf32> to vector<1x1x10240xf32>
    %reduce_sum3A_22 = arith.constant dense<0.000000e+00> : vector<1xf32>
    %reduce_sum3A_23 = vector.multi_reduction <add>, %reduce_sum3A_21, %reduce_sum3A_22 [1, 2] : vector<1x1x10240xf32> to vector<1xf32>
    %reduce_sum3A_24 = vector.shape_cast %reduce_sum3A_23 : vector<1xf32> to vector<1x1x1xf32>
    %reduce_sum3A_25 = vector.extract %reduce_sum3A_24[0, 0, 0] : f32 from vector<1x1x1xf32>
    %div3A_26 = arith.constant 1.000000e+04 : f32
    %div3A_27 = arith.divf %reduce_sum3A_25, %div3A_26 : f32
    %get3A_28 = arith.constant 0 : index
    %get3A_29 = arith.constant 0 : index
    %get3A_30 = vector.load %arg5[%get3A_28, %get3A_29] : memref<1x10240xf32, #tpu.memory_space<vmem>>, vector<1x10240xf32>
    %reduce_sum3A_31 = vector.shape_cast %get3A_30 : vector<1x10240xf32> to vector<1x1x10240xf32>
    %reduce_sum3A_32 = arith.constant dense<0.000000e+00> : vector<1xf32>
    %reduce_sum3A_33 = vector.multi_reduction <add>, %reduce_sum3A_31, %reduce_sum3A_32 [1, 2] : vector<1x1x10240xf32> to vector<1xf32>
    %reduce_sum3A_34 = vector.shape_cast %reduce_sum3A_33 : vector<1xf32> to vector<1x1x1xf32>
    %reduce_sum3A_35 = vector.extract %reduce_sum3A_34[0, 0, 0] : f32 from vector<1x1x1xf32>
    %mul3A_36 = vector.broadcast %div3A_17 : f32 to vector<1x128xf32>
    %mul3A_37 = arith.mulf %mul3A_36, %get3A_1 : vector<1x128xf32>
    %mul3A_38 = vector.broadcast %div3A_27 : f32 to vector<1x128xf32>
    %mul3A_39 = arith.mulf %mul3A_38, %get3A_4 : vector<1x128xf32>
    %add3A = arith.addf %mul3A_37, %mul3A_39 : vector<1x128xf32>
    %get3A_40 = arith.constant 0 : index
    %get3A_41 = arith.constant 0 : index
    %get3A_42 = vector.load %arg6[%get3A_40, %get3A_41] : memref<128x128xf32, #tpu.memory_space<vmem>>, vector<128x128xf32>
    %dot_general3A = arith.constant dense<0.000000e+00> : vector<1x128xf32>
    %dot_general3A_43 = tpu.matmul %add3A, %get3A_42, %dot_general3A {dimension_numbers = #tpu.dot_dimension_numbers<[1], [1], [0], [0], [0, 0, 1, 0], [], []>, transpose_lhs_hint = false} : vector<1x128xf32>, vector<128x128xf32>, vector<1x128xf32> -> vector<1x128xf32>
    %get3A_44 = arith.constant 0 : index
    %get3A_45 = arith.constant 0 : index
    %get3A_46 = vector.load %arg7[%get3A_44, %get3A_45] : memref<1x128xf32, #tpu.memory_space<vmem>>, vector<1x128xf32>
    %add3A_47 = arith.addf %dot_general3A_43, %get3A_46 : vector<1x128xf32>
    %mul3A_48 = vector.broadcast %reduce_sum3A_35 : f32 to vector<1x128xf32>
    %mul3A_49 = arith.mulf %mul3A_48, %get3A_1 : vector<1x128xf32>
    %add3A_50 = arith.addf %mul3A_49, %get3A_4 : vector<1x128xf32>
    %sub3A = arith.subf %add3A_50, %add3A_47 : vector<1x128xf32>
    %get3A_51 = arith.constant 0 : index
    %get3A_52 = arith.constant 0 : index
    %get3A_53 = vector.load %arg3[%get3A_51, %get3A_52] : memref<1x10240xf32, #tpu.memory_space<vmem>>, vector<1x10000xf32>
    %mul3A_54 = arith.mulf %sub3A, %get3A_1 : vector<1x128xf32>
    %dot_general3A_55 = arith.constant dense<0.000000e+00> : vector<10000x128xf32>
    %dot_general3A_56 = tpu.matmul %get3A_53, %mul3A_54, %dot_general3A_55 {dimension_numbers = #tpu.dot_dimension_numbers<[0], [0], [1], [1], [0, 1, 1, 1], [], []>, transpose_lhs_hint = false} : vector<1x10000xf32>, vector<1x128xf32>, vector<10000x128xf32> -> vector<10000x128xf32>
    %get3A_57 = arith.constant 0 : index
    %get3A_58 = arith.constant 0 : index
    %get3A_59 = vector.load %arg2[%get3A_57, %get3A_58] : memref<1x10240xf32, #tpu.memory_space<vmem>>, vector<1x10000xf32>
    %dot_general3A_60 = arith.constant dense<0.000000e+00> : vector<10000x128xf32>
    %dot_general3A_61 = tpu.matmul %get3A_59, %get3A_1, %dot_general3A_60 {dimension_numbers = #tpu.dot_dimension_numbers<[0], [0], [1], [1], [0, 1, 1, 1], [], []>, transpose_lhs_hint = false} : vector<1x10000xf32>, vector<1x128xf32>, vector<10000x128xf32> -> vector<10000x128xf32>
    %add3A_62 = arith.addf %dot_general3A_56, %dot_general3A_61 : vector<10000x128xf32>
    %mul3A_63 = arith.mulf %sub3A, %get3A_4 : vector<1x128xf32>
    %add3A_64 = arith.addf %mul3A_63, %get3A_4 : vector<1x128xf32>
    %add3A_65 = vector.broadcast %add3A_64 : vector<1x128xf32> to vector<10000x128xf32>
    %add3A_66 = arith.addf %add3A_62, %add3A_65 : vector<10000x128xf32>
    %swap3A = arith.constant 0 : index
    %swap3A_67 = arith.constant 0 : index
    %swap3A_68 = vector.load %arg10[%swap3A, %swap3A_67] : memref<10000x128xf32, #tpu.memory_space<vmem>>, vector<10000x128xf32>
    tpu.vector_store %arg10[%swap3A, %swap3A_67], %add3A_66 {strides = array<i32>} : memref<10000x128xf32, #tpu.memory_space<vmem>>, vector<10000x128xf32>,
    %slice3A = vector.extract_strided_slice %mul3A {offsets = [0, 0], sizes = [1, 10000], strides = [1, 1]} : vector<1x10240xf32> to vector<1x10000xf32>
    %dot_general3A_69 = arith.constant dense<0.000000e+00> : vector<10000x128xf32>
    %dot_general3A_70 = tpu.matmul %slice3A, %get3A_1, %dot_general3A_69 {dimension_numbers = #tpu.dot_dimension_numbers<[0], [0], [1], [1], [0, 1, 1, 1], [], []>, transpose_lhs_hint = false} : vector<1x10000xf32>, vector<1x128xf32>, vector<10000x128xf32> -> vector<10000x128xf32>
    %get3A_71 = arith.constant 0 : index
    %get3A_72 = arith.constant 0 : index
    %get3A_73 = vector.load %arg4[%get3A_71, %get3A_72] : memref<1x10240xf32, #tpu.memory_space<vmem>>, vector<1x10000xf32>
    %dot_general3A_74 = arith.constant dense<0.000000e+00> : vector<10000x128xf32>
    %dot_general3A_75 = tpu.matmul %get3A_73, %get3A_4, %dot_general3A_74 {dimension_numbers = #tpu.dot_dimension_numbers<[0], [0], [1], [1], [0, 1, 1, 1], [], []>, transpose_lhs_hint = false} : vector<1x10000xf32>, vector<1x128xf32>, vector<10000x128xf32> -> vector<10000x128xf32>
    %add3A_76 = arith.addf %dot_general3A_70, %dot_general3A_75 : vector<10000x128xf32>
    %swap3A_77 = arith.constant 0 : index
    %swap3A_78 = arith.constant 0 : index
    %swap3A_79 = vector.load %arg11[%swap3A_77, %swap3A_78] : memref<10000x128xf32, #tpu.memory_space<vmem>>, vector<10000x128xf32>
    tpu.vector_store %arg11[%swap3A_77, %swap3A_78], %add3A_76 {strides = array<i32>} : memref<10000x128xf32, #tpu.memory_space<vmem>>, vector<10000x128xf32>,
    return
  }
}

</mosaic_0001>

<sc_bundles>
// kernel: gnn_milp_pass_a.3.cloned.1.call-start
scs
__scs_entry_jumppad:
0x0: {  	(pc) =	sbr.rel $0x88, $3  }
0x1: {  	(tag) =	ssettag $0x0;
	lr =	simm.s32 $0x1  }
0x2: {  	[smem:$0x3F9A] =	sst lr;
	_ =	strace $0xD0000000  }
0x3: {  	_ = 	snop  }
0x4: {  	_ = 	snop  }
0x5: {  	_ = 	snop  }
0x6: {  	_ = 	snop  }
0x7: {  	_ = 	snop  }
__scs_overlays_trampoline_lowered:
0x8: {  	[smem:$0x3FA9] =	sst s0  }
0x9: {  	[smem:$0x3FAA] =	sst s1  }
0xa: {  	[smem:$0x3FAB] =	sst s2  }
0xb: {  	[smem:$0x3FAC] =	sst s3  }
0xc: {  	[smem:$0x3FAD] =	sst s4  }
0xd: {  	[smem:$0x3FAE] =	sst s5  }
0xe: {  	[smem:$0x3FAF] =	sst s6  }
0xf: {  	[smem:$0x3FB0] =	sst s7  }
0x10: {  	[smem:$0x3FB1] =	sst s8  }
0x11: {  	[smem:$0x3FB2] =	sst s9;
	s0 =	simm.s32 @!p0 $0x0  }
0x12: {  	s1 =	sld [smem:$0x3F98];
	s0 =	simm.s32 @p0 $0x1  }
0x13: {  	[smem:$0x3FB3] =	sst s0;
	s0 =	simm.s32 @!p1 $0x0  }
0x14: {  	s2 =	sld [smem:$0x3F97];
	s0 =	simm.s32 @p1 $0x1  }
0x15: {  	[smem:$0x3FB4] =	sst s0;
	s0 =	simm.s32 @!p2 $0x0  }
0x16: {  	s3 =	sld [smem:$0x3FDB];
	s0 =	simm.s32 @p2 $0x1  }
0x17: {  	s4 =	simm.s32 $0x1BF5;
	[smem:$0x3FB6] =	sst s0  }
0x18: {  	s0 =	sld [smem:$0x3F99];
	_ =	swait.ge [sflag:s4], $0x0  }
0x19: {  	s7 =	sld [smem:$0x3F9A]  }
0x1a: {  	s8 =	sadd.s32 $0xFFFFE003, lr  }
0x1b: {  	s9 =	sadd.s32 $0xFFFFFEF7, lr;
	s5 =	simm.s32 $0xFFFFFFFF;
	p2 =	slt.u32 s8, $0xFFFFF086  }
0x1c: {  	p1 =	slt.u32 s9, $0xF7A;
	s5 =	simm.s32 @!p2 $0x0  }
0x1d: {  	s5 =	simm.s32 @p1 $0x1;
	p0 =	seq.s32 s7, s2  }
0x1e: {  	s7 =	smul.u32 @!p0 $0xF7A, s2;
	p2 =	seq.s32 @!p0 s5, $0x0  }
0x1f: {  	s9 =	smul.u32 $0xF7A, s1;
	s8 =	simm.s32 @!p0 $0x1BF5;
	p2 =	por !p2, p0  }
0x20: {  	[sflag:s8] =	ssyncset.s32 @!p0 $0xFFFFF086;
	s6 =	sadd.s32 @!p0 s3, s7;
	s7 =	simm.s32 @!p0 $0x108  }
0x21: {  	s3 =	sadd.s32 s3, s9;
	s6 =	sadd.s32 @!p0 $0x88, s6;
	s7 =	simm.s32 @p2 $0x1082  }
0x22: {  	[simem:s7], [sflag:s8] =	dma.local @!p0 [hbm:s6], $0xF7A  }
0x23: {  	s9 =	sor.u32 $0xD0000000, s2;
	s6 =	simm.s32 $0x108;
	_ =	swait.ge @!p0 [sflag:s8], $0x0  }
0x24: {  	s3 =	sadd.s32 $0x88, s3;
	s6 =	simm.s32 @!p1 $0x1082;
	[sflag:s4] =	ssyncset.s32 $0xFFFFF086  }
0x25: {  	[simem:s6], [sflag:s4] =	dma.local [hbm:s3], $0xF7A  }
0x26: {  	[smem:$0x3F9A] =	sst s1;
	(tag) =	ssettag s2;
	_ =	strace s9  }
0x27: {  	s1 =	sld [smem:$0x3FAA]  }
0x28: {  	s2 =	sld [smem:$0x3FAB]  }
0x29: {  	s4 =	sld [smem:$0x3FAD]  }
0x2a: {  	p0 =	seq.s32 s5, $0x0;
	s5 =	sld [smem:$0x3FAE]  }
0x2b: {  	s6 =	sld [smem:$0x3FAF]  }
0x2c: {  	s7 =	sld [smem:$0x3FB0]  }
0x2d: {  	s3 =	simm.s32 $0x108;
	s8 =	sld [smem:$0x3FB1]  }
0x2e: {  	s3 =	simm.s32 @!p0 $0x1082;
	s9 =	sld [smem:$0x3FB2]  }
0x2f: {  	lr =	sadd.s32 s0, s3;
	s0 =	sld [smem:$0x3FA9]  }
0x30: {  	s3 =	sld [smem:$0x3FAC]  }
0x31: {  	[smem:$0x3FB5] =	sst s10  }
0x32: {  	s10 =	sld [smem:$0x3FB3];
	_ =	sdelay $0x3  }
0x33: {  	p0 =	seq.s32 s10, $0x1;
	s10 =	sld [smem:$0x3FB5];
	_ =	sdelay $0x3  }
0x34: {  	[smem:$0x3FB5] =	sst s10  }
0x35: {  	s10 =	sld [smem:$0x3FB4];
	_ =	sdelay $0x3  }
0x36: {  	p1 =	seq.s32 s10, $0x1;
	s10 =	sld [smem:$0x3FB5];
	_ =	sdelay $0x3  }
0x37: {  	[smem:$0x3FB5] =	sst s10  }
0x38: {  	s10 =	sld [smem:$0x3FB6]  }
0x39: {  	_ = 	snop;
	(pc) =	sbr.ind lr, $3  }
0x3a: {  	_ = 	snop  }
0x3b: {  	_ = 	snop  }
0x3c: {  	p2 =	seq.s32 s10, $0x1;
	s10 =	sld [smem:$0x3FB5]  }
0x3d: {  	_ =	shalt  }
0x3e: {  	_ =	shalt  }
0x3f: {  	_ =	shalt  }
0x40: {  	_ =	shalt  }
0x41: {  	_ =	shalt  }
0x42: {  	_ =	shalt  }
0x43: {  	_ =	shalt  }
0x44: {  	_ =	shalt  }
0x45: {  	_ =	shalt  }
0x46: {  	_ =	shalt  }
0x47: {  	_ =	shalt  }
0x48: {  	_ =	shalt  }
0x49: {  	_ =	shalt  }
0x4a: {  	_ =	shalt  }
0x4b: {  	_ =	shalt  }
0x4c: {  	_ =	shalt  }
0x4d: {  	_ =	shalt  }
0x4e: {  	_ =	shalt  }
0x4f: {  	_ =	shalt  }
0x50: {  	_ =	shalt  }
0x51: {  	_ =	shalt  }
0x52: {  	_ =	shalt  }
0x53: {  	_ =	shalt  }
0x54: {  	_ =	shalt  }
0x55: {  	_ =	shalt  }
0x56: {  	_ =	shalt  }
0x57: {  	_ =	shalt  }
0x58: {  	_ =	shalt  }
0x59: {  	_ =	shalt  }
0x5a: {  	_ =	shalt  }
0x5b: {  	_ =	shalt  }
0x5c: {  	_ =	shalt  }
0x5d: {  	_ =	shalt  }
0x5e: {  	_ =	shalt  }
0x5f: {  	_ =	shalt  }
0x60: {  	_ =	shalt  }
0x61: {  	_ =	shalt  }
0x62: {  	_ =	shalt  }
0x63: {  	_ =	shalt  }
0x64: {  	_ =	shalt  }
0x65: {  	_ =	shalt  }
0x66: {  	_ =	shalt  }
0x67: {  	_ =	shalt  }
0x68: {  	_ =	shalt  }
0x69: {  	_ =	shalt  }
0x6a: {  	_ =	shalt  }
0x6b: {  	_ =	shalt  }
0x6c: {  	_ =	shalt  }
0x6d: {  	_ =	shalt  }
0x6e: {  	_ =	shalt  }
0x6f: {  	_ =	shalt  }
0x70: {  	_ =	shalt  }
0x71: {  	_ =	shalt  }
0x72: {  	_ =	shalt  }
0x73: {  	_ =	shalt  }
0x74: {  	_ =	shalt  }
0x75: {  	_ =	shalt  }
0x76: {  	_ =	shalt  }
0x77: {  	_ =	shalt  }
0x78: {  	_ =	shalt  }
0x79: {  	_ =	shalt  }
0x7a: {  	_ =	shalt  }
0x7b: {  	_ =	shalt  }
0x7c: {  	_ =	shalt  }
0x7d: {  	_ =	shalt  }
0x7e: {  	_ =	shalt  }
0x7f: {  	_ =	shalt  }
0x80: {  	_ =	shalt  }
0x81: {  	_ =	shalt  }
0x82: {  	_ =	shalt  }
0x83: {  	_ =	shalt  }
0x84: {  	_ =	shalt  }
0x85: {  	_ =	shalt  }
0x86: {  	_ =	shalt  }
0x87: {  	_ =	shalt  }
.Lfunc_end0:
.L_simem_size_0:
called_computation_lowered:
.L_overlay_start_0:
0x88: {  	s2 =	sld [smem:$0x3FD9]  }
0x89: {  	s3 =	sld [smem:$0x3FFE];
	_ =	sdelay $0x1  }
0x8a: {  	s1 =	srdreg.scid  }
0x8b: {  	s0 =	sand.u32 $0x1, s1  }
0x8c: {  	s15 =	sshll.u32 s0, $0xA;
	s2 =	sadd.s32 s3, s2  }
0x8d: {  	s2 =	sadd.s32 s2, s15  }
0x8e: {  	[smem:$0x3FC1] =	sst s2  }
0x8f: {  	_ = 	snop  }
0x90: {  	s2 =	sld [smem:$0x3FD0];
	_ =	sdelay $0x1  }
0x91: {  	s16 =	sld [smem:$0x3FC9]  }
0x92: {  	s5 =	simm.s32 $0xA;
	s6 =	simm.s32 $0x10;
	s4 =	sld [smem:$0x3FC8]  }
0x93: {  	[smem:s6], [sflag:s5] =	dma.local [hbm:s2], $0x1  }
0x94: {  	_ =	swait.eq [sflag:s5], $0x1  }
0x95: {  	[sflag:s5] =	ssyncset.done $0x0  }
0x96: {  	s17 =	sld [smem:$0x11];
	[sflag:s5] =	ssyncadd.s32 $0xFFFFFFFF  }
0x97: {  	s18 =	sld [smem:$0x12];
	(tm) =	ssettm $0x1  }
0x98: {  	s19 =	sld [smem:$0x3FFB];
	_ =	sdelay $0x3  }
0x99: {  	_ =	strace s19  }
0x9a: {  	s6 =	sld [smem:$0x3FFC];
	_ =	sdelay $0x3  }
0x9b: {  	_ =	strace s6  }
0x9c: {  	s6 =	sld [smem:$0x3FFD];
	_ =	sdelay $0x3  }
0x9d: {  	_ =	strace s6  }
0x9e: {  	_ =	strace $0x8FFFFFFF  }
0x9f: {  	s20 =	sld [smem:$0x3FDB];
	_ =	sdelay $0x1  }
0xa0: {  	s7 =	simm.s32 $_scs_section_size  }
0xa1: {  	s8 =	simm.s32 $_size__tile_overlayer_lowered;
	s9 =	simm.s32 $_tile_overlayer_lowered  }
0xa2: {  	s23 =	simm.s32 $0x1BFF;
	s22 =	sshll.u32 s9, $0x1;
	s6 =	sadd.s32 s7, s20  }
0xa3: {  	s10 =	simm.s32 $0x0;
	s21 =	sshll.u32 s8, $0x1;
	s8 =	sadd.s32 s22, s6  }
0xa4: {  	[timem:s10], [sflag:s23] =	dma.local [hbm:s8], s21  }
0xa5: {  	_ =	swait.ge [sflag:s23], s21  }
0xa6: {  	s7 =	ssub.s32 $0x0, s21;
	[sflag:s23] =	ssyncset.done $0x0  }
0xa7: {  	[sflag:s23] =	ssyncadd.s32 s7;
	_ =	sdelay $0x1  }
0xa8: {  	s24 =	simm.s32 $0x1B8B  }
0xa9: {  	_ =	swait.ge [sflag:s24], $0x1  }
0xaa: {  	[sflag:s24] =	ssyncset.done $0x0  }
0xab: {  	s25 =	simm.s32 $0x1B8E;
	[sflag:s24] =	ssyncadd.s32 $0xFFFFFFFF  }
0xac: {  	s26 =	simm.s32 $execute0_lowered;
	[smem:$0x3FD2] =	sst s25  }
0xad: {  	s7 =	sshll.u32 s26, $0x1;
	_ =	strace $0x80000046;
	[dreg:$0x1] =	wrdreg $0xFFFFFFFF  }
0xae: {  	s28 =	simm.s32 $_size_execute0_lowered;
	s6 =	sadd.s32 s6, s7;
	[dreg:$0x0] =	wrdreg $0x0  }
0xaf: {  	s7 =	sshll.u32 s28, $0x1;
	[dreg:$0x2] =	wrdreg s6  }
0xb0: {  	[dreg:$0x3] =	wrdreg s7  }
0xb1: {  	[dreg:$0x4] =	wrdreg $0xC0  }
0xb2: {  	_ =	task [dreg:s10], $0x5FFFF  }
0xb3: {  	[dreg:$0x1] =	wrdreg $0xFFFFFFFF  }
0xb4: {  	[dreg:$0x0] =	wrdreg $0x60  }
0xb5: {  	[dreg:$0x2] =	wrdreg s4  }
0xb6: {  	[dreg:$0x3] =	wrdreg s16  }
0xb7: {  	[dreg:$0x4] =	wrdreg s18  }
0xb8: {  	[dreg:$0x5] =	wrdreg s17  }
0xb9: {  	[dreg:$0x6] =	wrdreg $0x9  }
0xba: {  	_ =	task.clear_ibuf [dreg:s10], $0x7FFFF;
	_ =	strace $0x90000046  }
0xbb: {  	s29 =	simm.s32 $0x9;
	_ =	strace $0x80000048  }
0xbc: {  	_ =	swait.ge [sflag:s29], $0x1  }
0xbd: {  	[sflag:s29] =	ssyncadd.s32 $0xFFFFFFFF  }
0xbe: {  	_ =	strace $0x90000048  }
0xbf: {  	_ =	sfence  }
0xc0: {  	s30 =	sld [smem:$0x0];
	_ =	sdelay $0x2  }
0xc1: {  	s31 =	sshll.u32 s1, $0xD;
	s1 =	sshrl.u32 s1, $0x2  }
0xc2: {  	s3 =	sand.u32 $0x4000, s31;
	s1 =	sadd.s32 s1, s30  }
0xc3: {  	s0 =	sor.u32 s3, s0;
	s1 =	sshll.u32 s1, $0x11  }
0xc4: {  	s0 =	sor.u32 s1, s0  }
0xc5: {  	s0 =	sadd.s32 $0x8F2B, s0  }
0xc6: {  	[sflag:s0] =	ssyncadd.remote.s32 $0x1  }
0xc7: {  	_ =	sfence.sel $0xFFFF  }
0xc8: {  	[dreg:$0x0] =	wrdreg $0xFFFFFFFF;
	(pc) =	sbr.abs _section_cstart, $3  }
0xc9: {  	[dreg:$0x1] =	wrdreg $0xFFFFFFFF  }
0xca: {  	_ =	task.clear_ibuf [dreg:s10], $0x2FFFF;
	_ =	strace $0x9FFFFFFF  }
0xcb: {  	(tm) =	ssettm $0x7FFFFFFF  }
tec
execute0_lowered:
.L_overlay_start_1:
0x0: {  	(tag) =	ssettag $0x1  }
0x1: {  	s5 =	rddreg [dreg:$0x0]  }
0x2: {  	s6 =	rddreg [dreg:$0x1]  }
0x3: {  	s7 =	rddreg [dreg:$0x2]  }
0x4: {  	s8 =	rddreg [dreg:$0x3]  }
0x5: {  	s0 =	rddreg [dreg:$0x4]  }
0x6: {  	s3 =	srdreg.scid;
	s1 =	stileid.u32  }
0x7: {  	s2 =	simm.s32 $0x0;
	s14 =	simm.s32 $0x80;
	s15 =	simm.s32 $0x400  }
0x8: {  	s16 =	simm.s32 $0x2;
	s17 =	simm.s32 $0x0;
	s3 =	sand.u32 $0x1, s3  }
0x9: {  	s4 =	sshll.u32 s1, $0x1;
	[smem:$0x7FF] =	sst s2;
	s12 =	sshrl.u32 s1, $0x2  }
0xa: {  	p0 =	sgt.u32 s1, $0x1;
	s10 =	sor.u32 s3, s4;
	s12 =	smul.u32 $0x14000, s12  }
0xb: {  	s9 =	ssub.s32 $0x2, s3;
	_ =	strace $0x80000047;
	s4 =	smul.u32 $0x4E0, s10  }
0xc: {  	s28 =	sshrl.u32 s9, $0x1;
	s11 =	smul.u32 $0x9C0, s10;
	s13 =	sshll.u32 s10, $0x7  }
0xd: {  	s10 =	sor.u32 $0x9C0, s10;
	s9 =	ssub.s32 s9, s28;
	s29 =	sand.u32 $0x380, s13  }
0xe: {  	s30 =	sshll.u32 s10, $0x4;
	s10 =	sshll.u32 s10, $0x5;
	s13 =	simm.s32 $0x9E80  }
0xf: {  	s3 =	sadd.s32 s5, s4;
	s4 =	sadd.s32 s6, s11;
	s11 =	sor.u32 s12, s29  }
0x10: {  	s5 =	sadd.s32 s5, s30;
	s6 =	sadd.s32 s6, s10;
	s9 =	smax.u32 s9, $0x1  }
0x11: {  	s10 =	simm.s32 $0x2700;
	s12 =	simm.s32 $0x7680;
	s31 =	sshrl.u32 s11, $0x3  }
0x12: {  	v0 =	vimm.f32 $0.0e+00;
	s11 =	simm.s32 $0x1;
	s7 =	sadd.s32 s7, s31;
	s8 =	sadd.s32 s8, s31  }
.LBB2_1:
0x13: {  	[tilespmem:s2], [sflag:$0x1] =	stream.linear.gather [hbm4b:s3+s2], $0x2700, $0x38;
	[tilespmem:$0xC680] =	vst v63  }
0x14: {  	_ = 	snop  }
0x15: {  	v1 =	vimm.f32 @p0 $0.0e+00;
	[tilespmem:s10], [sflag:$0x1] =	stream.linear.gather [hbm4b:s4+s2], $0x4E00, $0x38;
	[tilespmem:$0xC680] =	vst v63  }
0x16: {  	v2 =	vimm.s32 @p0 $0x0;
	[tilespmem:$0x7500] =	vst @p0 v1  }
0x17: {  	[tilespmem:$0x7580] =	vst @p0 v2  }
0x18: {  	[tilespmem:$0x7600] =	vst @p0 v2  }
0x19: {  	[tilespmem:$0x7510] =	vst @p0 v1  }
0x1a: {  	[tilespmem:$0x7590] =	vst @p0 v2  }
0x1b: {  	[tilespmem:$0x7610] =	vst @p0 v2  }
0x1c: {  	[tilespmem:$0x7520] =	vst @p0 v1  }
0x1d: {  	[tilespmem:$0x75A0] =	vst @p0 v2  }
0x1e: {  	[tilespmem:$0x7620] =	vst @p0 v2  }
0x1f: {  	[tilespmem:$0x7530] =	vst @p0 v1  }
0x20: {  	[tilespmem:$0x75B0] =	vst @p0 v2  }
0x21: {  	[tilespmem:$0x7630] =	vst @p0 v2  }
0x22: {  	[tilespmem:$0x7540] =	vst @p0 v1  }
0x23: {  	[tilespmem:$0x75C0] =	vst @p0 v2  }
0x24: {  	[tilespmem:$0x7640] =	vst @p0 v2  }
0x25: {  	[tilespmem:$0x7550] =	vst @p0 v1  }
0x26: {  	[tilespmem:$0x75D0] =	vst @p0 v2  }
0x27: {  	[tilespmem:$0x7650] =	vst @p0 v2  }
0x28: {  	[tilespmem:$0x7560] =	vst @p0 v1  }
0x29: {  	[tilespmem:$0x75E0] =	vst @p0 v2  }
0x2a: {  	[tilespmem:$0x7660] =	vst @p0 v2  }
0x2b: {  	[tilespmem:$0x7570] =	vst @p0 v1  }
0x2c: {  	[tilespmem:$0x75F0] =	vst @p0 v2  }
0x2d: {  	s18 =	simm.s32 @!p0 $0x0;
	s19 =	simm.s32 @!p0 $0x7500;
	[tilespmem:$0x7670] =	vst @p0 v2  }
0x2e: {  	[tilespmem:s19], [sflag:$0x1] =	stream.linear.gather @!p0 [hbm4b:s5+s18], $0x80, $0x38;
	[tilespmem:$0xC680] =	vst v63  }
0x2f: {  	s19 =	simm.s32 @!p0 $0x7580  }
0x30: {  	[tilespmem:s19], [sflag:$0x1] =	stream.linear.gather @!p0 [hbm4b:s6+s18], $0x100, $0x38;
	[tilespmem:$0xC680] =	vst v63  }
0x31: {  	s18 =	simm.s32 @!p0 $0x1  }
0x32: {  	_ =	swait.ge @!p0 [sflag:s18], $0x80  }
0x33: {  	[sflag:s18] =	ssyncset.done @!p0 $0x0  }
0x34: {  	[sflag:s18] =	ssyncadd.s32 @!p0 $0xFFFFFF80  }
0x35: {  	_ =	swait.ge @!p0 [sflag:s18], $0x100  }
0x36: {  	[sflag:s18] =	ssyncset.done @!p0 $0x0  }
0x37: {  	s19 =	simm.s32 $0x76C0;
	[sflag:s18] =	ssyncadd.s32 @!p0 $0xFFFFFF00  }
0x38: {  	[tilespmem:s19+$0xFFFFFFC0] =	vst v0  }
0x39: {  	[tilespmem:s19+$0x30] =	vst v0  }
0x3a: {  	[tilespmem:s19+$0x20] =	vst v0  }
0x3b: {  	[tilespmem:s19+$0x10] =	vst v0  }
0x3c: {  	[tilespmem:s19+$0x0] =	vst v0  }
0x3d: {  	[tilespmem:s19+$0xFFFFFFF0] =	vst v0  }
0x3e: {  	s20 =	simm.s32 $0x0;
	[tilespmem:s19+$0xFFFFFFE0] =	vst v0  }
.LBB2_2:
0x3f: {  	s20 =	sadd.s32 $0x8, s20;
	[tilespmem:s19+$0xFFFFFFD0] =	vst v0;
	s19 =	sadd.s32 $0x80, s19;
	s18 =	simm.s32 $0x9EC0  }
0x40: {  	[tilespmem:s19+$0xFFFFFFC0] =	vst v0;
	p1 =	slt.u32 s20, $0x278  }
0x41: {  	[tilespmem:s19+$0x30] =	vst v0  }
.Ltmp0:
0x42: {  	[tilespmem:s19+$0x20] =	vst v0;
	(pc) =	sbr.rel @p1 .LBB2_2-.Ltmp0, $4  }
0x43: {  	[tilespmem:s19+$0x10] =	vst v0  }
0x44: {  	[tilespmem:s19+$0x0] =	vst v0  }
0x45: {  	[tilespmem:s19+$0xFFFFFFF0] =	vst v0  }
0x46: {  	[tilespmem:s19+$0xFFFFFFE0] =	vst v0  }
0x47: {  	[tilespmem:s19+$0xFFFFFFD0] =	vst v0  }
0x48: {  	[tilespmem:s18+$0xFFFFFFC0] =	vst v0  }
0x49: {  	[tilespmem:s18+$0x30] =	vst v0  }
0x4a: {  	[tilespmem:s18+$0x20] =	vst v0  }
0x4b: {  	[tilespmem:s18+$0x10] =	vst v0  }
0x4c: {  	[tilespmem:s18+$0x0] =	vst v0  }
0x4d: {  	[tilespmem:s18+$0xFFFFFFF0] =	vst v0  }
0x4e: {  	s19 =	simm.s32 $0x0;
	[tilespmem:s18+$0xFFFFFFE0] =	vst v0  }
.LBB2_4:
0x4f: {  	s19 =	sadd.s32 $0x8, s19;
	[tilespmem:s18+$0xFFFFFFD0] =	vst v0;
	s18 =	sadd.s32 $0x80, s18  }
0x50: {  	[tilespmem:s18+$0xFFFFFFC0] =	vst v0;
	p1 =	slt.u32 s19, $0x278  }
0x51: {  	[tilespmem:s18+$0x30] =	vst v0  }
.Ltmp1:
0x52: {  	[tilespmem:s18+$0x20] =	vst v0;
	(pc) =	sbr.rel @p1 .LBB2_4-.Ltmp1, $4  }
0x53: {  	[tilespmem:s18+$0x10] =	vst v0  }
0x54: {  	[tilespmem:s18+$0x0] =	vst v0  }
0x55: {  	[tilespmem:s18+$0xFFFFFFF0] =	vst v0  }
0x56: {  	[tilespmem:s18+$0xFFFFFFE0] =	vst v0  }
0x57: {  	[tilespmem:s18+$0xFFFFFFD0] =	vst v0  }
0x58: {  	p2 =	por $0x0, $0x0;
	s18 =	simm.s32 $0x1;
	_ =	swait.ge [sflag:s11], $0x2700  }
0x59: {  	s18 =	simm.s32 @!p2 $0x0;
	[sflag:s11] =	ssyncset.done $0x0  }
0x5a: {  	s18 =	sshll.u32 s18, $0x6;
	[sflag:s11] =	ssyncadd.s32 $0xFFFFD900  }
0x5b: {  	s19 =	sadd.s32 $0x0, s18;
	_ =	swait.ge [sflag:s11], $0x4E00  }
0x5c: {  	s18 =	sadd.s32 $0x30, s19;
	[sflag:s11] =	ssyncset.done $0x0  }
0x5d: {  	s20 =	sadd.s32 $0x10, s19;
	s21 =	sor.u32 $0x80, s18;
	[sflag:s11] =	ssyncadd.s32 $0xFFFFB200  }
0x5e: {  	s18 =	simm.s32 $0x0;
	s20 =	sor.u32 $0x80, s20;
	v7 =	vld [tilespmem:s21+$0x2700]  }
0x5f: {  	s30 =	sand.u32 $0x3FC0, s18;
	v5 =	vld [tilespmem:s20+$0x2700]  }
0x60: {  	v8 =	vld [tilespmem:s30+$0x30]  }
0x61: {  	v6 =	vld [tilespmem:s30+$0x10]  }
0x62: {  	s31 =	sadd.s32 $0x20, s19;
	v1 =	vld [tilespmem:s18+$0x0]  }
0x63: {  	s20 =	sor.u32 $0x80, s31;
	v3 =	vld [tilespmem:s30+$0x20]  }
0x64: {  	s19 =	sor.u32 $0x80, s19;
	v4 =	vld [tilespmem:s20+$0x2700]  }
0x65: {  	v2 =	vld [tilespmem:s19+$0x2700];
	v9 =	vand.u32 $0x7FFFFFFF, v8  }
0x66: {  	v63 =	vand.u32 $0x7FFFFFFF, v6;
	[tilespmem:v7+s12+$0x0] =	vst.idx.add.f32.msk $0xffff, v9  }
0x67: {  	p1 =	por $0x1, $0x1;
	s22 =	simm.s32 $0x0;
	p2 =	por !p2, !p2;
	[tilespmem:v5+s12+$0x0] =	vst.idx.add.f32.msk $0xffff, v63  }
0x68: {  	s19 =	simm.s32 $0x0;
	s21 =	simm.s32 $0x0;
	s20 =	simm.s32 $0x0;
	[tilespmem:v7+s13+$0x0] =	vst.idx.add.f32.msk $0xffff, v8;
	v7 =	vand.u32 $0x7FFFFFFF, v3  }
.LBB2_6:
0x69: {  	s23 =	simm.s32 $0x1  }
0x6a: {  	[tilespmem:v5+s13+$0x0] =	vst.idx.add.f32.msk $0xffff, v6;
	s20 =	sadd.s32 $0x40, s20;
	v8 =	vmov v2;
	s23 =	simm.s32 @!p2 $0x0  }
0x6b: {  	s19 =	sadd.s32 $0x4, s19;
	s21 =	sadd.s32 $0x80, s21;
	s23 =	sshll.u32 s23, $0x6;
	v9 =	vld [tilespmem:s20+$0x0]  }
0x6c: {  	p3 =	slt.u32 s19, $0x26C;
	s23 =	sadd.s32 s23, s21;
	[tilespmem:v4+s12+$0x0] =	vst.idx.add.f32.msk $0xffff, v7  }
0x6d: {  	v5 =	vand.u32 $0x7FFFFFFF, v1;
	s24 =	sadd.s32 $0x10, s23;
	s25 =	sadd.s32 $0x20, s23;
	s26 =	sadd.s32 $0x30, s23;
	[tilespmem:v4+s13+$0x0] =	vst.idx.add.f32.msk $0xffff, v3  }
0x6e: {  	s24 =	sor.u32 $0x80, s24;
	s25 =	sor.u32 $0x80, s25;
	s26 =	sor.u32 $0x80, s26;
	[tilespmem:v2+s12+$0x0] =	vst.idx.add.f32.msk $0xffff, v5  }
0x6f: {  	s22 =	sadd.s32 $0x40, s22;
	s23 =	sor.u32 $0x80, s23;
	v10 =	vld [tilespmem:s26+$0x2700]  }
0x70: {  	s26 =	sand.u32 $0x3FC0, s22;
	v5 =	vld [tilespmem:s24+$0x2700]  }
0x71: {  	v11 =	vld [tilespmem:s26+$0x30]  }
0x72: {  	v6 =	vld [tilespmem:s26+$0x10]  }
0x73: {  	v3 =	vld [tilespmem:s26+$0x20]  }
0x74: {  	v4 =	vld [tilespmem:s25+$0x2700]  }
.Ltmp2:
0x75: {  	v2 =	vld [tilespmem:s23+$0x2700];
	(pc) =	sbr.rel @p3 .LBB2_6-.Ltmp2, $4  }
0x76: {  	v7 =	vand.u32 $0x7FFFFFFF, v11;
	[tilespmem:v8+s13+$0x0] =	vst.idx.add.f32.msk $0xffff, v1;
	v1 =	vmov v9  }
0x77: {  	v8 =	vand.u32 $0x7FFFFFFF, v6;
	[tilespmem:v10+s12+$0x0] =	vst.idx.add.f32.msk $0xffff, v7  }
0x78: {  	v7 =	vand.u32 $0x7FFFFFFF, v3;
	[tilespmem:v10+s13+$0x0] =	vst.idx.add.f32.msk $0xffff, v11  }
0x79: {  	p2 =	por !p2, !p2;
	[tilespmem:v5+s12+$0x0] =	vst.idx.add.f32.msk $0xffff, v8  }
0x7a: {  	_ =	sdelay $0x3  }
0x7b: {  	[tilespmem:v5+s13+$0x0] =	vst.idx.add.f32.msk $0xffff, v6  }
0x7c: {  	[tilespmem:v4+s12+$0x0] =	vst.idx.add.f32.msk $0xffff, v7  }
0x7d: {  	v63 =	vand.u32 $0x7FFFFFFF, v1;
	[tilespmem:v4+s13+$0x0] =	vst.idx.add.f32.msk $0xffff, v3  }
0x7e: {  	[tilespmem:v2+s12+$0x0] =	vst.idx.add.f32.msk $0xffff, v63  }
0x7f: {  	[tilespmem:v2+s13+$0x0] =	vst.idx.add.f32.msk $0xffff, v1  }
.LBB2_8:
0x80: {  	v1 =	vld [tilespmem:s18+$0x7600]  }
0x81: {  	v2 =	vld [tilespmem:s18+$0x7500]  }
0x82: {  	v3 =	vld [tilespmem:s18+$0x7610]  }
0x83: {  	v4 =	vld [tilespmem:s18+$0x7510]  }
0x84: {  	v5 =	vld [tilespmem:s18+$0x7620]  }
0x85: {  	v6 =	vld [tilespmem:s18+$0x7520]  }
0x86: {  	v8 =	vld [tilespmem:s18+$0x7630]  }
0x87: {  	v63 =	vld [tilespmem:s18+$0x7530];
	v7 =	vand.u32 $0x7FFFFFFF, v2  }
0x88: {  	[tilespmem:v1+s12+$0x0] =	vst.idx.add.f32.msk $0xffff, v7  }
0x89: {  	[tilespmem:v1+s13+$0x0] =	vst.idx.add.f32.msk $0xffff, v2;
	v1 =	vand.u32 $0x7FFFFFFF, v4  }
0x8a: {  	p2 =	por p1, p1;
	[tilespmem:v3+s12+$0x0] =	vst.idx.add.f32.msk $0xffff, v1  }
.Ltmp3:
0x8b: {  	v1 =	vand.u32 $0x7FFFFFFF, v6;
	[tilespmem:v3+s13+$0x0] =	vst.idx.add.f32.msk $0xffff, v4;
	(pc) =	sbr.rel @p2 .LBB2_8-.Ltmp3, $4  }
0x8c: {  	[tilespmem:v5+s12+$0x0] =	vst.idx.add.f32.msk $0xffff, v1  }
0x8d: {  	v1 =	vand.u32 $0x7FFFFFFF, v63;
	[tilespmem:v5+s13+$0x0] =	vst.idx.add.f32.msk $0xffff, v6  }
0x8e: {  	[tilespmem:v8+s12+$0x0] =	vst.idx.add.f32.msk $0xffff, v1  }
0x8f: {  	s18 =	simm.s32 $0x40;
	p1 =	por $0x0, $0x0;
	[tilespmem:v8+s13+$0x0] =	vst.idx.add.f32.msk $0xffff, v63  }
0x90: {  	[hbm4b:s7+s14] =	stream.strided.scatter [tilespmem:s12], [sflag:$0x2], $0x2800, s15, s14, $0x38;
	[tilespmem:$0xC680] =	vst v63  }
0x91: {  	s17 =	sadd.s32 $0x1, s17;
	_ =	swait.ge [sflag:s16], $0x2800  }
0x92: {  	p1 =	sne.s32 s17, s9;
	[sflag:s16] =	ssyncset.done $0x0  }
.Ltmp4:
0x93: {  	[sflag:s16] =	ssyncadd.s32 $0xFFFFD800;
	(pc) =	sbr.rel @p1 .LBB2_1-.Ltmp4, $4  }
0x94: {  	[hbm4b:s8+s14] =	stream.strided.scatter [tilespmem:s13], [sflag:$0x2], $0x2800, s15, s14, $0x38;
	[tilespmem:$0xC680] =	vst v63  }
0x95: {  	_ =	swait.ge [sflag:s16], $0x2800  }
0x96: {  	[sflag:s16] =	ssyncset.done $0x0  }
0x97: {  	[sflag:s16] =	ssyncadd.s32 $0xFFFFD800  }
0x98: {  	_ =	sfence.sel $0x180000  }
0x99: {  	[bflag:$0x0] =	sbarrier.arrive $0xFFFF  }
0x9a: {  	p0 =	sne.s32 s1, $0x0;
	_ =	strace $0x90000047  }
0x9b: {  	s0 =	sadd.s32 @!p0 $0x100000, s0;
	[bflag:$0x2] =	sbarrier.arrive $0xFFFF  }
0x9c: {  	[sflag:s0] =	ssyncadd.tile.s32 @!p0 $0x1;
	_ =	shalt  }
.Lfunc_end2:
_tile_overlayer_lowered:
.L_overlay_start_2:
0x9d: {  	(tag) =	ssettag $0x2  }
0x9e: {  	s0 =	rddreg [dreg:$0x0];
	s2 =	stileid.u32  }
0x9f: {  	s1 =	rddreg [dreg:$0x1];
	p0 =	sne.s32 s2, $0x0  }
0xa0: {  	s3 =	rddreg [dreg:$0x2];
	[bflag:$0x3] =	sbarrier.arrive $0xFFFF;
	s2 =	simm.s32 @!p0 $0x1C02  }
0xa1: {  	[timem:s3], [sflag:s2] =	dma.local @!p0 [hbm:s0], s1  }
0xa2: {  	s0 =	simm.s32 @!p0 $0x2  }
0xa3: {  	_ =	swait.ge @!p0 [sflag:s0], s1  }
0xa4: {  	s1 =	ssub.s32 @!p0 $0x0, s1;
	[sflag:s0] =	ssyncset.done @!p0 $0x0  }
0xa5: {  	[sflag:s0] =	ssyncadd.s32 @!p0 s1  }
0xa6: {  	[bflag:$0x3] =	sbarrier.arrive $0xFFFF  }
0xa7: {  	_ =	shalt  }

// kernel: gnn_milp_pass_b.3.cloned.1.call-start
scs
__scs_entry_jumppad:
0x0: {  	(pc) =	sbr.rel $0x88, $3  }
0x1: {  	(tag) =	ssettag $0x0;
	lr =	simm.s32 $0x1  }
0x2: {  	[smem:$0x3F9A] =	sst lr;
	_ =	strace $0xD0000000  }
0x3: {  	_ = 	snop  }
0x4: {  	_ = 	snop  }
0x5: {  	_ = 	snop  }
0x6: {  	_ = 	snop  }
0x7: {  	_ = 	snop  }
__scs_overlays_trampoline_lowered:
0x8: {  	[smem:$0x3FA9] =	sst s0  }
0x9: {  	[smem:$0x3FAA] =	sst s1  }
0xa: {  	[smem:$0x3FAB] =	sst s2  }
0xb: {  	[smem:$0x3FAC] =	sst s3  }
0xc: {  	[smem:$0x3FAD] =	sst s4  }
0xd: {  	[smem:$0x3FAE] =	sst s5  }
0xe: {  	[smem:$0x3FAF] =	sst s6  }
0xf: {  	[smem:$0x3FB0] =	sst s7  }
0x10: {  	[smem:$0x3FB1] =	sst s8  }
0x11: {  	[smem:$0x3FB2] =	sst s9;
	s0 =	simm.s32 @!p0 $0x0  }
0x12: {  	s1 =	sld [smem:$0x3F98];
	s0 =	simm.s32 @p0 $0x1  }
0x13: {  	[smem:$0x3FB3] =	sst s0;
	s0 =	simm.s32 @!p1 $0x0  }
0x14: {  	s2 =	sld [smem:$0x3F97];
	s0 =	simm.s32 @p1 $0x1  }
0x15: {  	[smem:$0x3FB4] =	sst s0;
	s0 =	simm.s32 @!p2 $0x0  }
0x16: {  	s3 =	sld [smem:$0x3FDB];
	s0 =	simm.s32 @p2 $0x1  }
0x17: {  	s4 =	simm.s32 $0x1BF5;
	[smem:$0x3FB6] =	sst s0  }
0x18: {  	s0 =	sld [smem:$0x3F99];
	_ =	swait.ge [sflag:s4], $0x0  }
0x19: {  	s7 =	sld [smem:$0x3F9A]  }
0x1a: {  	s8 =	sadd.s32 $0xFFFFE003, lr  }
0x1b: {  	s9 =	sadd.s32 $0xFFFFFEF7, lr;
	s5 =	simm.s32 $0xFFFFFFFF;
	p2 =	slt.u32 s8, $0xFFFFF086  }
0x1c: {  	p1 =	slt.u32 s9, $0xF7A;
	s5 =	simm.s32 @!p2 $0x0  }
0x1d: {  	s5 =	simm.s32 @p1 $0x1;
	p0 =	seq.s32 s7, s2  }
0x1e: {  	s7 =	smul.u32 @!p0 $0xF7A, s2;
	p2 =	seq.s32 @!p0 s5, $0x0  }
0x1f: {  	s9 =	smul.u32 $0xF7A, s1;
	s8 =	simm.s32 @!p0 $0x1BF5;
	p2 =	por !p2, p0  }
0x20: {  	[sflag:s8] =	ssyncset.s32 @!p0 $0xFFFFF086;
	s6 =	sadd.s32 @!p0 s3, s7;
	s7 =	simm.s32 @!p0 $0x108  }
0x21: {  	s3 =	sadd.s32 s3, s9;
	s6 =	sadd.s32 @!p0 $0x88, s6;
	s7 =	simm.s32 @p2 $0x1082  }
0x22: {  	[simem:s7], [sflag:s8] =	dma.local @!p0 [hbm:s6], $0xF7A  }
0x23: {  	s9 =	sor.u32 $0xD0000000, s2;
	s6 =	simm.s32 $0x108;
	_ =	swait.ge @!p0 [sflag:s8], $0x0  }
0x24: {  	s3 =	sadd.s32 $0x88, s3;
	s6 =	simm.s32 @!p1 $0x1082;
	[sflag:s4] =	ssyncset.s32 $0xFFFFF086  }
0x25: {  	[simem:s6], [sflag:s4] =	dma.local [hbm:s3], $0xF7A  }
0x26: {  	[smem:$0x3F9A] =	sst s1;
	(tag) =	ssettag s2;
	_ =	strace s9  }
0x27: {  	s1 =	sld [smem:$0x3FAA]  }
0x28: {  	s2 =	sld [smem:$0x3FAB]  }
0x29: {  	s4 =	sld [smem:$0x3FAD]  }
0x2a: {  	p0 =	seq.s32 s5, $0x0;
	s5 =	sld [smem:$0x3FAE]  }
0x2b: {  	s6 =	sld [smem:$0x3FAF]  }
0x2c: {  	s7 =	sld [smem:$0x3FB0]  }
0x2d: {  	s3 =	simm.s32 $0x108;
	s8 =	sld [smem:$0x3FB1]  }
0x2e: {  	s3 =	simm.s32 @!p0 $0x1082;
	s9 =	sld [smem:$0x3FB2]  }
0x2f: {  	lr =	sadd.s32 s0, s3;
	s0 =	sld [smem:$0x3FA9]  }
0x30: {  	s3 =	sld [smem:$0x3FAC]  }
0x31: {  	[smem:$0x3FB5] =	sst s10  }
0x32: {  	s10 =	sld [smem:$0x3FB3];
	_ =	sdelay $0x3  }
0x33: {  	p0 =	seq.s32 s10, $0x1;
	s10 =	sld [smem:$0x3FB5];
	_ =	sdelay $0x3  }
0x34: {  	[smem:$0x3FB5] =	sst s10  }
0x35: {  	s10 =	sld [smem:$0x3FB4];
	_ =	sdelay $0x3  }
0x36: {  	p1 =	seq.s32 s10, $0x1;
	s10 =	sld [smem:$0x3FB5];
	_ =	sdelay $0x3  }
0x37: {  	[smem:$0x3FB5] =	sst s10  }
0x38: {  	s10 =	sld [smem:$0x3FB6]  }
0x39: {  	_ = 	snop;
	(pc) =	sbr.ind lr, $3  }
0x3a: {  	_ = 	snop  }
0x3b: {  	_ = 	snop  }
0x3c: {  	p2 =	seq.s32 s10, $0x1;
	s10 =	sld [smem:$0x3FB5]  }
0x3d: {  	_ =	shalt  }
0x3e: {  	_ =	shalt  }
0x3f: {  	_ =	shalt  }
0x40: {  	_ =	shalt  }
0x41: {  	_ =	shalt  }
0x42: {  	_ =	shalt  }
0x43: {  	_ =	shalt  }
0x44: {  	_ =	shalt  }
0x45: {  	_ =	shalt  }
0x46: {  	_ =	shalt  }
0x47: {  	_ =	shalt  }
0x48: {  	_ =	shalt  }
0x49: {  	_ =	shalt  }
0x4a: {  	_ =	shalt  }
0x4b: {  	_ =	shalt  }
0x4c: {  	_ =	shalt  }
0x4d: {  	_ =	shalt  }
0x4e: {  	_ =	shalt  }
0x4f: {  	_ =	shalt  }
0x50: {  	_ =	shalt  }
0x51: {  	_ =	shalt  }
0x52: {  	_ =	shalt  }
0x53: {  	_ =	shalt  }
0x54: {  	_ =	shalt  }
0x55: {  	_ =	shalt  }
0x56: {  	_ =	shalt  }
0x57: {  	_ =	shalt  }
0x58: {  	_ =	shalt  }
0x59: {  	_ =	shalt  }
0x5a: {  	_ =	shalt  }
0x5b: {  	_ =	shalt  }
0x5c: {  	_ =	shalt  }
0x5d: {  	_ =	shalt  }
0x5e: {  	_ =	shalt  }
0x5f: {  	_ =	shalt  }
0x60: {  	_ =	shalt  }
0x61: {  	_ =	shalt  }
0x62: {  	_ =	shalt  }
0x63: {  	_ =	shalt  }
0x64: {  	_ =	shalt  }
0x65: {  	_ =	shalt  }
0x66: {  	_ =	shalt  }
0x67: {  	_ =	shalt  }
0x68: {  	_ =	shalt  }
0x69: {  	_ =	shalt  }
0x6a: {  	_ =	shalt  }
0x6b: {  	_ =	shalt  }
0x6c: {  	_ =	shalt  }
0x6d: {  	_ =	shalt  }
0x6e: {  	_ =	shalt  }
0x6f: {  	_ =	shalt  }
0x70: {  	_ =	shalt  }
0x71: {  	_ =	shalt  }
0x72: {  	_ =	shalt  }
0x73: {  	_ =	shalt  }
0x74: {  	_ =	shalt  }
0x75: {  	_ =	shalt  }
0x76: {  	_ =	shalt  }
0x77: {  	_ =	shalt  }
0x78: {  	_ =	shalt  }
0x79: {  	_ =	shalt  }
0x7a: {  	_ =	shalt  }
0x7b: {  	_ =	shalt  }
0x7c: {  	_ =	shalt  }
0x7d: {  	_ =	shalt  }
0x7e: {  	_ =	shalt  }
0x7f: {  	_ =	shalt  }
0x80: {  	_ =	shalt  }
0x81: {  	_ =	shalt  }
0x82: {  	_ =	shalt  }
0x83: {  	_ =	shalt  }
0x84: {  	_ =	shalt  }
0x85: {  	_ =	shalt  }
0x86: {  	_ =	shalt  }
0x87: {  	_ =	shalt  }
.Lfunc_end0:
.L_simem_size_0:
called_computation.1_lowered:
.L_overlay_start_0:
0x88: {  	s2 =	sld [smem:$0x3FD9]  }
0x89: {  	s3 =	sld [smem:$0x3FFE];
	_ =	sdelay $0x1  }
0x8a: {  	s1 =	srdreg.scid  }
0x8b: {  	s0 =	sand.u32 $0x1, s1  }
0x8c: {  	s14 =	sshll.u32 s0, $0xA;
	s2 =	sadd.s32 s3, s2  }
0x8d: {  	s2 =	sadd.s32 s2, s14  }
0x8e: {  	[smem:$0x3FC1] =	sst s2  }
0x8f: {  	_ = 	snop  }
0x90: {  	s2 =	sld [smem:$0x3FD0];
	_ =	sdelay $0x1  }
0x91: {  	s15 =	sld [smem:$0x3FC9]  }
0x92: {  	s5 =	simm.s32 $0xA;
	s6 =	simm.s32 $0x10;
	s4 =	sld [smem:$0x3FC8]  }
0x93: {  	[smem:s6], [sflag:s5] =	dma.local [hbm:s2], $0x1  }
0x94: {  	_ =	swait.eq [sflag:s5], $0x1  }
0x95: {  	s16 =	sld [smem:$0x10];
	[sflag:s5] =	ssyncset.done $0x0  }
0x96: {  	s17 =	sld [smem:$0x11];
	[sflag:s5] =	ssyncadd.s32 $0xFFFFFFFF  }
0x97: {  	s18 =	sld [smem:$0x12];
	(tm) =	ssettm $0x1  }
0x98: {  	s7 =	sld [smem:$0x3FFB];
	_ =	sdelay $0x3  }
0x99: {  	_ =	strace s7  }
0x9a: {  	s7 =	sld [smem:$0x3FFC];
	_ =	sdelay $0x3  }
0x9b: {  	_ =	strace s7  }
0x9c: {  	s7 =	sld [smem:$0x3FFD];
	_ =	sdelay $0x3  }
0x9d: {  	_ =	strace s7  }
0x9e: {  	_ =	strace $0x8FFFFFFF  }
0x9f: {  	s19 =	sld [smem:$0x3FDB];
	_ =	sdelay $0x1  }
0xa0: {  	s8 =	simm.s32 $_scs_section_size  }
0xa1: {  	s9 =	simm.s32 $_size__tile_overlayer_lowered;
	s10 =	simm.s32 $_tile_overlayer_lowered  }
0xa2: {  	s22 =	simm.s32 $0x1BFF;
	s21 =	sshll.u32 s10, $0x1;
	s7 =	sadd.s32 s8, s19  }
0xa3: {  	s11 =	simm.s32 $0x0;
	s20 =	sshll.u32 s9, $0x1;
	s9 =	sadd.s32 s21, s7  }
0xa4: {  	[timem:s11], [sflag:s22] =	dma.local [hbm:s9], s20  }
0xa5: {  	_ =	swait.ge [sflag:s22], s20  }
0xa6: {  	s8 =	ssub.s32 $0x0, s20;
	[sflag:s22] =	ssyncset.done $0x0  }
0xa7: {  	[sflag:s22] =	ssyncadd.s32 s8;
	_ =	sdelay $0x1  }
0xa8: {  	s23 =	simm.s32 $0x1B8B  }
0xa9: {  	_ =	swait.ge [sflag:s23], $0x1  }
0xaa: {  	[sflag:s23] =	ssyncset.done $0x0  }
0xab: {  	s25 =	simm.s32 $0x1B8E;
	s24 =	sld [smem:$0x3FFE];
	[sflag:s23] =	ssyncadd.s32 $0xFFFFFFFF  }
0xac: {  	s26 =	simm.s32 $execute0_lowered;
	[smem:$0x3FD2] =	sst s25  }
0xad: {  	s9 =	sshll.u32 s26, $0x1;
	_ =	strace $0x80000049;
	[dreg:$0x1] =	wrdreg $0xFFFFFFFF  }
0xae: {  	s28 =	simm.s32 $_size_execute0_lowered;
	s7 =	sadd.s32 s7, s9;
	[dreg:$0x0] =	wrdreg $0x0  }
0xaf: {  	s9 =	sshll.u32 s28, $0x1;
	[dreg:$0x2] =	wrdreg s7  }
0xb0: {  	[dreg:$0x3] =	wrdreg s9  }
0xb1: {  	[dreg:$0x4] =	wrdreg $0xC0  }
0xb2: {  	_ =	task [dreg:s11], $0x5FFFF  }
0xb3: {  	[dreg:$0x1] =	wrdreg $0xFFFFFFFF  }
0xb4: {  	[dreg:$0x0] =	wrdreg $0x60  }
0xb5: {  	[dreg:$0x2] =	wrdreg s4  }
0xb6: {  	[dreg:$0x3] =	wrdreg s15  }
0xb7: {  	[dreg:$0x4] =	wrdreg s16  }
0xb8: {  	[dreg:$0x5] =	wrdreg s24  }
0xb9: {  	[dreg:$0x6] =	wrdreg s18  }
0xba: {  	[dreg:$0x7] =	wrdreg s17  }
0xbb: {  	[dreg:$0x8] =	wrdreg $0x9  }
0xbc: {  	_ =	task.clear_ibuf [dreg:s11], $0x9FFFF;
	_ =	strace $0x90000049  }
0xbd: {  	s29 =	simm.s32 $0x9;
	_ =	strace $0x8000004B  }
0xbe: {  	_ =	swait.ge [sflag:s29], $0x1  }
0xbf: {  	[sflag:s29] =	ssyncadd.s32 $0xFFFFFFFF  }
0xc0: {  	_ =	strace $0x9000004B  }
0xc1: {  	_ =	sfence  }
0xc2: {  	s30 =	sld [smem:$0x0];
	_ =	sdelay $0x2  }
0xc3: {  	s31 =	sshll.u32 s1, $0xD;
	s1 =	sshrl.u32 s1, $0x2  }
0xc4: {  	s3 =	sand.u32 $0x4000, s31;
	s1 =	sadd.s32 s1, s30  }
0xc5: {  	s0 =	sor.u32 s3, s0;
	s1 =	sshll.u32 s1, $0x11  }
0xc6: {  	s0 =	sor.u32 s1, s0  }
0xc7: {  	s0 =	sadd.s32 $0x8F2B, s0  }
0xc8: {  	[sflag:s0] =	ssyncadd.remote.s32 $0x1  }
0xc9: {  	_ =	sfence.sel $0xFFFF  }
0xca: {  	[dreg:$0x0] =	wrdreg $0xFFFFFFFF;
	(pc) =	sbr.abs _section_cstart, $3  }
0xcb: {  	[dreg:$0x1] =	wrdreg $0xFFFFFFFF  }
0xcc: {  	_ =	task.clear_ibuf [dreg:s11], $0x2FFFF;
	_ =	strace $0x9FFFFFFF  }
0xcd: {  	(tm) =	ssettm $0x7FFFFFFF  }
tec
execute0_lowered:
.L_overlay_start_1:
0x0: {  	(tag) =	ssettag $0x1  }
0x1: {  	s7 =	rddreg [dreg:$0x0]  }
0x2: {  	s8 =	rddreg [dreg:$0x1]  }
0x3: {  	s4 =	rddreg [dreg:$0x3]  }
0x4: {  	s9 =	rddreg [dreg:$0x4]  }
0x5: {  	s10 =	rddreg [dreg:$0x5];
	s3 =	simm.s32 $0x0  }
0x6: {  	s5 =	srdreg.scid;
	s0 =	stileid.u32;
	s16 =	simm.s32 $0xC680  }
0x7: {  	s17 =	simm.s32 $0xEE80;
	s18 =	simm.s32 $0x80;
	s19 =	simm.s32 $0x400  }
0x8: {  	s20 =	simm.s32 $0x2;
	s21 =	simm.s32 $0x0;
	[smem:$0x7FF] =	sst s3  }
0x9: {  	s5 =	sand.u32 $0x1, s5;
	s6 =	sshll.u32 s0, $0x1;
	s14 =	sshrl.u32 s0, $0x2  }
0xa: {  	s4 =	sadd.s32 $0x3600, s4;
	s6 =	sor.u32 s5, s6;
	s14 =	smul.u32 $0x14000, s14  }
0xb: {  	p0 =	sgt.u32 s0, $0x1;
	s5 =	ssub.s32 $0x2, s5;
	s11 =	smul.u32 $0x4E0, s6  }
0xc: {  	_ =	strace $0x8000004A;
	s12 =	sshrl.u32 s5, $0x1;
	s13 =	smul.u32 $0x9C0, s6  }
0xd: {  	s15 =	sshll.u32 s6, $0x7;
	s29 =	sor.u32 $0x9C0, s6;
	s12 =	ssub.s32 s5, s12  }
0xe: {  	s15 =	sand.u32 $0x380, s15;
	s30 =	sshll.u32 s29, $0x4;
	s5 =	sadd.s32 s7, s11  }
0xf: {  	s6 =	sadd.s32 s8, s13;
	s14 =	sor.u32 s14, s15;
	s7 =	sadd.s32 s7, s30  }
0x10: {  	s11 =	sshll.u32 s29, $0x5;
	s13 =	simm.s32 $0x7680;
	s15 =	simm.s32 $0x1  }
0x11: {  	s31 =	sshrl.u32 s14, $0x3;
	s8 =	sadd.s32 s8, s11;
	s11 =	smax.u32 s12, $0x1  }
0x12: {  	v0 =	vimm.f32 $0.0e+00;
	s14 =	simm.s32 $0x9E80;
	s9 =	sadd.s32 s9, s31;
	s10 =	sadd.s32 s10, s31  }
.LBB2_1:
0x13: {  	[tilespmem:s3], [sflag:$0x1] =	stream.linear.gather [hbm4b:s5+s3], $0x2700, $0x38;
	[tilespmem:$0x11680] =	vst v63  }
0x14: {  	s0 =	simm.s32 $0x2700  }
0x15: {  	v1 =	vimm.f32 @p0 $0.0e+00;
	[tilespmem:s0], [sflag:$0x1] =	stream.linear.gather [hbm4b:s6+s3], $0x4E00, $0x38;
	[tilespmem:$0x11680] =	vst v63  }
0x16: {  	v2 =	vimm.s32 @p0 $0x0;
	[tilespmem:$0x7500] =	vst @p0 v1  }
0x17: {  	[tilespmem:$0x7580] =	vst @p0 v2  }
0x18: {  	[tilespmem:$0x7600] =	vst @p0 v2  }
0x19: {  	[tilespmem:$0x7510] =	vst @p0 v1  }
0x1a: {  	[tilespmem:$0x7590] =	vst @p0 v2  }
0x1b: {  	[tilespmem:$0x7610] =	vst @p0 v2  }
0x1c: {  	[tilespmem:$0x7520] =	vst @p0 v1  }
0x1d: {  	[tilespmem:$0x75A0] =	vst @p0 v2  }
0x1e: {  	[tilespmem:$0x7620] =	vst @p0 v2  }
0x1f: {  	[tilespmem:$0x7530] =	vst @p0 v1  }
0x20: {  	[tilespmem:$0x75B0] =	vst @p0 v2  }
0x21: {  	[tilespmem:$0x7630] =	vst @p0 v2  }
0x22: {  	[tilespmem:$0x7540] =	vst @p0 v1  }
0x23: {  	[tilespmem:$0x75C0] =	vst @p0 v2  }
0x24: {  	[tilespmem:$0x7640] =	vst @p0 v2  }
0x25: {  	[tilespmem:$0x7550] =	vst @p0 v1  }
0x26: {  	[tilespmem:$0x75D0] =	vst @p0 v2  }
0x27: {  	[tilespmem:$0x7650] =	vst @p0 v2  }
0x28: {  	[tilespmem:$0x7560] =	vst @p0 v1  }
0x29: {  	[tilespmem:$0x75E0] =	vst @p0 v2  }
0x2a: {  	[tilespmem:$0x7660] =	vst @p0 v2  }
0x2b: {  	[tilespmem:$0x7570] =	vst @p0 v1  }
0x2c: {  	[tilespmem:$0x75F0] =	vst @p0 v2  }
0x2d: {  	s22 =	simm.s32 @!p0 $0x0;
	s23 =	simm.s32 @!p0 $0x7500;
	[tilespmem:$0x7670] =	vst @p0 v2  }
0x2e: {  	[tilespmem:s23], [sflag:$0x1] =	stream.linear.gather @!p0 [hbm4b:s7+s22], $0x80, $0x38;
	[tilespmem:$0x11680] =	vst v63  }
0x2f: {  	s23 =	simm.s32 @!p0 $0x7580  }
0x30: {  	[tilespmem:s23], [sflag:$0x1] =	stream.linear.gather @!p0 [hbm4b:s8+s22], $0x100, $0x38;
	[tilespmem:$0x11680] =	vst v63  }
0x31: {  	s22 =	simm.s32 @!p0 $0x1  }
0x32: {  	_ =	swait.ge @!p0 [sflag:s22], $0x80  }
0x33: {  	[sflag:s22] =	ssyncset.done @!p0 $0x0  }
0x34: {  	[sflag:s22] =	ssyncadd.s32 @!p0 $0xFFFFFF80  }
0x35: {  	_ =	swait.ge @!p0 [sflag:s22], $0x100  }
0x36: {  	[sflag:s22] =	ssyncset.done @!p0 $0x0  }
0x37: {  	[sflag:s22] =	ssyncadd.s32 @!p0 $0xFFFFFF00  }
0x38: {  	s31 =	rddreg [dreg:$0x2]  }
0x39: {  	[tilespmem:s13], [sflag:$0x1] =	stream.linear.gather [hbm4b:s31+s3], $0x2800, $0x38;
	[tilespmem:$0x11680] =	vst v63  }
0x3a: {  	s23 =	simm.s32 $0xC6C0  }
0x3b: {  	[tilespmem:s14], [sflag:$0x1] =	stream.linear.gather [hbm4b:s4+s3], $0x2800, $0x38;
	[tilespmem:$0x11680] =	vst v63  }
0x3c: {  	[tilespmem:s23+$0xFFFFFFC0] =	vst v0  }
0x3d: {  	[tilespmem:s23+$0x30] =	vst v0  }
0x3e: {  	[tilespmem:s23+$0x20] =	vst v0  }
0x3f: {  	[tilespmem:s23+$0x10] =	vst v0  }
0x40: {  	[tilespmem:s23+$0x0] =	vst v0  }
0x41: {  	[tilespmem:s23+$0xFFFFFFF0] =	vst v0  }
0x42: {  	s24 =	simm.s32 $0x0;
	[tilespmem:s23+$0xFFFFFFE0] =	vst v0  }
.LBB2_2:
0x43: {  	s24 =	sadd.s32 $0x8, s24;
	[tilespmem:s23+$0xFFFFFFD0] =	vst v0;
	s23 =	sadd.s32 $0x80, s23;
	s22 =	simm.s32 $0xEEC0  }
0x44: {  	[tilespmem:s23+$0xFFFFFFC0] =	vst v0;
	p1 =	slt.u32 s24, $0x278  }
0x45: {  	[tilespmem:s23+$0x30] =	vst v0  }
.Ltmp0:
0x46: {  	[tilespmem:s23+$0x20] =	vst v0;
	(pc) =	sbr.rel @p1 .LBB2_2-.Ltmp0, $4  }
0x47: {  	[tilespmem:s23+$0x10] =	vst v0  }
0x48: {  	[tilespmem:s23+$0x0] =	vst v0  }
0x49: {  	[tilespmem:s23+$0xFFFFFFF0] =	vst v0  }
0x4a: {  	[tilespmem:s23+$0xFFFFFFE0] =	vst v0  }
0x4b: {  	[tilespmem:s23+$0xFFFFFFD0] =	vst v0  }
0x4c: {  	[tilespmem:s22+$0xFFFFFFC0] =	vst v0  }
0x4d: {  	[tilespmem:s22+$0x30] =	vst v0  }
0x4e: {  	[tilespmem:s22+$0x20] =	vst v0  }
0x4f: {  	[tilespmem:s22+$0x10] =	vst v0  }
0x50: {  	[tilespmem:s22+$0x0] =	vst v0  }
0x51: {  	[tilespmem:s22+$0xFFFFFFF0] =	vst v0  }
0x52: {  	s23 =	simm.s32 $0x0;
	[tilespmem:s22+$0xFFFFFFE0] =	vst v0  }
.LBB2_4:
0x53: {  	s23 =	sadd.s32 $0x8, s23;
	[tilespmem:s22+$0xFFFFFFD0] =	vst v0;
	s22 =	sadd.s32 $0x80, s22  }
0x54: {  	[tilespmem:s22+$0xFFFFFFC0] =	vst v0;
	p1 =	slt.u32 s23, $0x278  }
0x55: {  	[tilespmem:s22+$0x30] =	vst v0  }
.Ltmp1:
0x56: {  	[tilespmem:s22+$0x20] =	vst v0;
	(pc) =	sbr.rel @p1 .LBB2_4-.Ltmp1, $4  }
0x57: {  	[tilespmem:s22+$0x10] =	vst v0  }
0x58: {  	[tilespmem:s22+$0x0] =	vst v0  }
0x59: {  	[tilespmem:s22+$0xFFFFFFF0] =	vst v0  }
0x5a: {  	[tilespmem:s22+$0xFFFFFFE0] =	vst v0  }
0x5b: {  	[tilespmem:s22+$0xFFFFFFD0] =	vst v0  }
0x5c: {  	_ =	swait.ge [sflag:s15], $0x2700  }
0x5d: {  	[sflag:s15] =	ssyncset.done $0x0  }
0x5e: {  	[sflag:s15] =	ssyncadd.s32 $0xFFFFD900  }
0x5f: {  	_ =	swait.ge [sflag:s15], $0x4E00  }
0x60: {  	[sflag:s15] =	ssyncset.done $0x0  }
0x61: {  	[sflag:s15] =	ssyncadd.s32 $0xFFFFB200  }
0x62: {  	p1 =	por $0x0, $0x0;
	s22 =	simm.s32 $0x1;
	_ =	swait.ge [sflag:s15], $0x2800  }
0x63: {  	s22 =	simm.s32 @!p1 $0x0;
	[sflag:s15] =	ssyncset.done $0x0  }
0x64: {  	s22 =	sshll.u32 s22, $0x6;
	[sflag:s15] =	ssyncadd.s32 $0xFFFFD800  }
0x65: {  	s23 =	sadd.s32 $0x0, s22;
	_ =	swait.ge [sflag:s15], $0x2800  }
0x66: {  	s22 =	sadd.s32 $0x30, s23;
	[sflag:s15] =	ssyncset.done $0x0  }
0x67: {  	s22 =	sor.u32 $0x80, s22;
	[sflag:s15] =	ssyncadd.s32 $0xFFFFD800  }
0x68: {  	s24 =	sadd.s32 $0x10, s23;
	s2 =	sadd.s32 $0x20, s23;
	s23 =	sor.u32 $0x80, s23;
	v6 =	vld [tilespmem:s22+$0x2700]  }
0x69: {  	s24 =	sor.u32 $0x80, s24;
	s22 =	simm.s32 $0x0;
	v3 =	vld [tilespmem:s23+$0x2700]  }
0x6a: {  	s25 =	sor.u32 $0x80, s2;
	v1 =	vld [tilespmem:s24+$0x2700];
	s12 =	sand.u32 $0x40, s22;
	s28 =	sand.u32 $0x7F00, s22  }
0x6b: {  	v2 =	vld [tilespmem:s25+$0x2700];
	s24 =	sadd.s32 $0x2700, s28;
	s29 =	sor.u32 $0x30, s12  }
0x6c: {  	v7 =	vld [tilespmem:s22+$0x0];
	s28 =	sand.u32 $0x3F80, s22;
	s26 =	sor.u32 s29, s24  }
0x6d: {  	s30 =	sor.u32 $0x10, s12;
	s25 =	sor.u32 s29, s28;
	v5 =	vld [tilespmem:s26+$0x0]  }
0x6e: {  	s29 =	sor.u32 s30, s28;
	v8 =	vld [tilespmem:s25+$0x0]  }
0x6f: {  	v14 =	vld [tilespmem:s29+$0x0]  }
0x70: {  	s31 =	sor.u32 $0x20, s12;
	v4 =	vld.idx.msk [tilespmem:v6+s13+$0x0], $0xffff  }
0x71: {  	s28 =	sor.u32 s31, s28;
	v10 =	vld.idx.msk [tilespmem:v3+s13+$0x0], $0xffff  }
0x72: {  	v15 =	vld [tilespmem:s28+$0x0]  }
0x73: {  	v9 =	vld.idx.msk [tilespmem:v1+s13+$0x0], $0xffff  }
0x74: {  	s23 =	sor.u32 s12, s24;
	v13 =	vld.idx.msk [tilespmem:v2+s13+$0x0], $0xffff  }
0x75: {  	s25 =	sor.u32 s30, s24;
	v11 =	vmul.f32 v4, v8;
	v4 =	vld [tilespmem:s23+$0x0]  }
0x76: {  	v8 =	vmul.f32 v10, v7;
	v10 =	vld [tilespmem:s25+$0x0]  }
0x77: {  	[tilespmem:v5+s16+$0x0] =	vst.idx.add.f32.msk $0xffff, v11  }
0x78: {  	s24 =	sor.u32 s31, s24;
	v12 =	vld.idx.msk [tilespmem:v6+s14+$0x0], $0xffff  }
0x79: {  	v6 =	vmul.f32 v9, v14;
	v9 =	vld [tilespmem:s24+$0x0]  }
0x7a: {  	s26 =	simm.s32 $0x0  }
0x7b: {  	s23 =	simm.s32 $0x0;
	v7 =	vmul.f32 v13, v15;
	s25 =	simm.s32 $0x0;
	s24 =	simm.s32 $0x40  }
.LBB2_6:
0x7c: {  	v13 =	vld [tilespmem:s24+$0x0];
	p1 =	por !p1, !p1;
	s28 =	simm.s32 $0x1  }
0x7d: {  	s23 =	sadd.s32 $0x4, s23;
	v11 =	vmul.f32 v12, v11;
	s28 =	simm.s32 @!p1 $0x0;
	[tilespmem:v4+s16+$0x0] =	vst.idx.add.f32.msk $0xffff, v8;
	v14 =	vmov v10  }
0x7e: {  	s25 =	sadd.s32 $0x80, s25;
	p3 =	slt.u32 s23, $0x26C;
	s28 =	sshll.u32 s28, $0x6;
	v3 =	vld.idx.msk [tilespmem:v3+s14+$0x0], $0xffff;
	v15 =	vmov v9  }
0x7f: {  	p2 =	por $0x1, $0x1;
	s28 =	sadd.s32 s28, s25;
	[tilespmem:v5+s17+$0x0] =	vst.idx.add.f32.msk $0xffff, v11  }
0x80: {  	s29 =	sadd.s32 $0x10, s28;
	s30 =	sadd.s32 $0x20, s28;
	s31 =	sadd.s32 $0x30, s28;
	[tilespmem:v10+s16+$0x0] =	vst.idx.add.f32.msk $0xffff, v6  }
0x81: {  	s29 =	sor.u32 $0x80, s29;
	s30 =	sor.u32 $0x80, s30;
	s31 =	sor.u32 $0x80, s31;
	[tilespmem:v9+s16+$0x0] =	vst.idx.add.f32.msk $0xffff, v7  }
0x82: {  	s28 =	sor.u32 $0x80, s28;
	v9 =	vld [tilespmem:s31+$0x2700]  }
0x83: {  	v10 =	vld [tilespmem:s29+$0x2700]  }
0x84: {  	v5 =	vmul.f32 v3, v8;
	v11 =	vld [tilespmem:s30+$0x2700]  }
0x85: {  	s26 =	sadd.s32 $0x40, s26;
	v3 =	vld [tilespmem:s28+$0x2700]  }
0x86: {  	s29 =	sand.u32 $0x7F00, s25;
	s28 =	sand.u32 $0x40, s26;
	v8 =	vld.idx.msk [tilespmem:v1+s14+$0x0], $0xffff  }
0x87: {  	s29 =	sadd.s32 $0x2700, s29;
	s30 =	sor.u32 $0x10, s28;
	s31 =	sor.u32 $0x30, s28;
	v12 =	vld.idx.msk [tilespmem:v2+s14+$0x0], $0xffff  }
0x88: {  	s0 =	sor.u32 s28, s29;
	s28 =	sor.u32 $0x20, s28;
	s2 =	sor.u32 s31, s29;
	[tilespmem:v4+s17+$0x0] =	vst.idx.add.f32.msk $0xffff, v5;
	v1 =	vmov v10  }
0x89: {  	s1 =	sand.u32 $0x3F80, s26;
	s12 =	sor.u32 s30, s29;
	s29 =	sor.u32 s28, s29;
	v5 =	vld [tilespmem:s2+$0x0];
	v2 =	vmov v11  }
0x8a: {  	s28 =	sor.u32 s28, s1;
	s2 =	sor.u32 s30, s1;
	s1 =	sor.u32 s31, s1;
	v4 =	vld.idx.msk [tilespmem:v9+s13+$0x0], $0xffff  }
0x8b: {  	v16 =	vld [tilespmem:s1+$0x0]  }
0x8c: {  	v18 =	vmul.f32 v8, v6;
	v17 =	vld.idx.msk [tilespmem:v10+s13+$0x0], $0xffff  }
0x8d: {  	v20 =	vmul.f32 v12, v7;
	v19 =	vld.idx.msk [tilespmem:v11+s13+$0x0], $0xffff  }
0x8e: {  	v6 =	vld.idx.msk [tilespmem:v3+s13+$0x0], $0xffff  }
0x8f: {  	v7 =	vld [tilespmem:s2+$0x0]  }
0x90: {  	v21 =	vld [tilespmem:s28+$0x0];
	v11 =	vmul.f32 v4, v16  }
0x91: {  	v4 =	vld [tilespmem:s0+$0x0]  }
0x92: {  	[tilespmem:v5+s16+$0x0] =	vst.idx.add.f32.msk $0xffff, v11  }
.Ltmp2:
0x93: {  	v12 =	vld.idx.msk [tilespmem:v9+s14+$0x0], $0xffff;
	(pc) =	sbr.rel @p3 .LBB2_6-.Ltmp2, $4  }
0x94: {  	v8 =	vmul.f32 v6, v13;
	v10 =	vld [tilespmem:s12+$0x0];
	v6 =	vmul.f32 v17, v7  }
0x95: {  	v9 =	vld [tilespmem:s29+$0x0];
	v7 =	vmul.f32 v19, v21  }
0x96: {  	[tilespmem:v14+s17+$0x0] =	vst.idx.add.f32.msk $0xffff, v18  }
0x97: {  	s24 =	sadd.s32 $0x40, s24;
	[tilespmem:v15+s17+$0x0] =	vst.idx.add.f32.msk $0xffff, v20  }
0x98: {  	_ =	sdelay $0x3  }
0x99: {  	[tilespmem:v4+s16+$0x0] =	vst.idx.add.f32.msk $0xffff, v8  }
0x9a: {  	v3 =	vld.idx.msk [tilespmem:v3+s14+$0x0], $0xffff  }
0x9b: {  	[tilespmem:v10+s16+$0x0] =	vst.idx.add.f32.msk $0xffff, v6  }
0x9c: {  	[tilespmem:v9+s16+$0x0] =	vst.idx.add.f32.msk $0xffff, v7  }
0x9d: {  	v1 =	vld.idx.msk [tilespmem:v1+s14+$0x0], $0xffff  }
0x9e: {  	v2 =	vld.idx.msk [tilespmem:v2+s14+$0x0], $0xffff;
	_ =	sdelay $0x1  }
0x9f: {  	v11 =	vmul.f32 v12, v11  }
0xa0: {  	v3 =	vmul.f32 v3, v8  }
0xa1: {  	[tilespmem:v5+s17+$0x0] =	vst.idx.add.f32.msk $0xffff, v11;
	v1 =	vmul.f32 v1, v6  }
0xa2: {  	[tilespmem:v4+s17+$0x0] =	vst.idx.add.f32.msk $0xffff, v3;
	v2 =	vmul.f32 v2, v7  }
0xa3: {  	[tilespmem:v10+s17+$0x0] =	vst.idx.add.f32.msk $0xffff, v1  }
0xa4: {  	[tilespmem:v9+s17+$0x0] =	vst.idx.add.f32.msk $0xffff, v2  }
.LBB2_8:
0xa5: {  	v1 =	vld [tilespmem:s22+$0x7600]  }
0xa6: {  	v2 =	vld [tilespmem:s22+$0x7610]  }
0xa7: {  	v3 =	vld [tilespmem:s22+$0x7500]  }
0xa8: {  	v4 =	vld [tilespmem:s22+$0x7580]  }
0xa9: {  	v5 =	vld [tilespmem:s22+$0x7620]  }
0xaa: {  	v7 =	vld [tilespmem:s22+$0x7510]  }
0xab: {  	v8 =	vld [tilespmem:s22+$0x7630]  }
0xac: {  	v9 =	vld [tilespmem:s22+$0x7590]  }
0xad: {  	v11 =	vld [tilespmem:s22+$0x7520]  }
0xae: {  	v12 =	vld [tilespmem:s22+$0x75A0]  }
0xaf: {  	v14 =	vld [tilespmem:s22+$0x7530]  }
0xb0: {  	v61 =	vld [tilespmem:s22+$0x75B0]  }
0xb1: {  	v6 =	vld.idx.msk [tilespmem:v1+s13+$0x0], $0xffff  }
0xb2: {  	v10 =	vld.idx.msk [tilespmem:v2+s13+$0x0], $0xffff  }
0xb3: {  	v13 =	vld.idx.msk [tilespmem:v5+s13+$0x0], $0xffff  }
0xb4: {  	v15 =	vld.idx.msk [tilespmem:v8+s13+$0x0], $0xffff;
	_ =	sdelay $0x1  }
0xb5: {  	v3 =	vmul.f32 v6, v3  }
0xb6: {  	v7 =	vmul.f32 v10, v7  }
0xb7: {  	v62 =	vmul.f32 v13, v11;
	[tilespmem:v4+s16+$0x0] =	vst.idx.add.f32.msk $0xffff, v3  }
0xb8: {  	v63 =	vmul.f32 v15, v14;
	[tilespmem:v9+s16+$0x0] =	vst.idx.add.f32.msk $0xffff, v7  }
0xb9: {  	[tilespmem:v12+s16+$0x0] =	vst.idx.add.f32.msk $0xffff, v62  }
0xba: {  	[tilespmem:v61+s16+$0x0] =	vst.idx.add.f32.msk $0xffff, v63  }
0xbb: {  	v1 =	vld.idx.msk [tilespmem:v1+s14+$0x0], $0xffff  }
0xbc: {  	v2 =	vld.idx.msk [tilespmem:v2+s14+$0x0], $0xffff  }
0xbd: {  	v5 =	vld.idx.msk [tilespmem:v5+s14+$0x0], $0xffff  }
0xbe: {  	v8 =	vld.idx.msk [tilespmem:v8+s14+$0x0], $0xffff;
	_ =	sdelay $0x1  }
0xbf: {  	p1 =	por p2, p2;
	v1 =	vmul.f32 v1, v3  }
.Ltmp3:
0xc0: {  	v2 =	vmul.f32 v2, v7;
	(pc) =	sbr.rel @p1 .LBB2_8-.Ltmp3, $4  }
0xc1: {  	[tilespmem:v4+s17+$0x0] =	vst.idx.add.f32.msk $0xffff, v1;
	v1 =	vmul.f32 v5, v62  }
0xc2: {  	[tilespmem:v9+s17+$0x0] =	vst.idx.add.f32.msk $0xffff, v2;
	v2 =	vmul.f32 v8, v63  }
0xc3: {  	[tilespmem:v12+s17+$0x0] =	vst.idx.add.f32.msk $0xffff, v1  }
0xc4: {  	s22 =	simm.s32 $0x40;
	p2 =	por $0x0, $0x0;
	[tilespmem:v61+s17+$0x0] =	vst.idx.add.f32.msk $0xffff, v2  }
0xc5: {  	[hbm4b:s9+s18] =	stream.strided.scatter [tilespmem:s16], [sflag:$0x2], $0x2800, s19, s18, $0x38;
	[tilespmem:$0x11680] =	vst v63  }
0xc6: {  	s21 =	sadd.s32 $0x1, s21;
	_ =	swait.ge [sflag:s20], $0x2800  }
0xc7: {  	p1 =	sne.s32 s21, s11;
	[sflag:s20] =	ssyncset.done $0x0  }
.Ltmp4:
0xc8: {  	[sflag:s20] =	ssyncadd.s32 $0xFFFFD800;
	(pc) =	sbr.rel @p1 .LBB2_1-.Ltmp4, $4  }
0xc9: {  	[hbm4b:s10+s18] =	stream.strided.scatter [tilespmem:s17], [sflag:$0x2], $0x2800, s19, s18, $0x38;
	[tilespmem:$0x11680] =	vst v63  }
0xca: {  	_ =	swait.ge [sflag:s20], $0x2800  }
0xcb: {  	[sflag:s20] =	ssyncset.done $0x0  }
0xcc: {  	[sflag:s20] =	ssyncadd.s32 $0xFFFFD800  }
0xcd: {  	_ =	sfence.sel $0x180000  }
0xce: {  	[bflag:$0x0] =	sbarrier.arrive $0xFFFF  }
0xcf: {  	_ =	strace $0x9000004A  }
0xd0: {  	s0 =	stileid.u32;
	[bflag:$0x2] =	sbarrier.arrive $0xFFFF  }
0xd1: {  	p0 =	sne.s32 s0, $0x0;
	s0 =	rddreg [dreg:$0x6]  }
0xd2: {  	s0 =	sadd.s32 @!p0 $0x100000, s0  }
0xd3: {  	[sflag:s0] =	ssyncadd.tile.s32 @!p0 $0x1;
	_ =	shalt  }
.Lfunc_end2:
_tile_overlayer_lowered:
.L_overlay_start_2:
0xd4: {  	(tag) =	ssettag $0x2  }
0xd5: {  	s0 =	rddreg [dreg:$0x0];
	s2 =	stileid.u32  }
0xd6: {  	s1 =	rddreg [dreg:$0x1];
	p0 =	sne.s32 s2, $0x0  }
0xd7: {  	s3 =	rddreg [dreg:$0x2];
	[bflag:$0x3] =	sbarrier.arrive $0xFFFF;
	s2 =	simm.s32 @!p0 $0x1C02  }
0xd8: {  	[timem:s3], [sflag:s2] =	dma.local @!p0 [hbm:s0], s1  }
0xd9: {  	s0 =	simm.s32 @!p0 $0x2  }
0xda: {  	_ =	swait.ge @!p0 [sflag:s0], s1  }
0xdb: {  	s1 =	ssub.s32 @!p0 $0x0, s1;
	[sflag:s0] =	ssyncset.done @!p0 $0x0  }
0xdc: {  	[sflag:s0] =	ssyncadd.s32 @!p0 s1  }
0xdd: {  	[bflag:$0x3] =	sbarrier.arrive $0xFFFF  }
0xde: {  	_ =	shalt  }

// kernel: gnn_milp_pass_c.3.cloned.1.call-start
scs
__scs_entry_jumppad:
0x0: {  	(pc) =	sbr.rel $0x88, $3  }
0x1: {  	(tag) =	ssettag $0x0;
	lr =	simm.s32 $0x1  }
0x2: {  	[smem:$0x3F9A] =	sst lr;
	_ =	strace $0xD0000000  }
0x3: {  	_ = 	snop  }
0x4: {  	_ = 	snop  }
0x5: {  	_ = 	snop  }
0x6: {  	_ = 	snop  }
0x7: {  	_ = 	snop  }
__scs_overlays_trampoline_lowered:
0x8: {  	[smem:$0x3FA9] =	sst s0  }
0x9: {  	[smem:$0x3FAA] =	sst s1  }
0xa: {  	[smem:$0x3FAB] =	sst s2  }
0xb: {  	[smem:$0x3FAC] =	sst s3  }
0xc: {  	[smem:$0x3FAD] =	sst s4  }
0xd: {  	[smem:$0x3FAE] =	sst s5  }
0xe: {  	[smem:$0x3FAF] =	sst s6  }
0xf: {  	[smem:$0x3FB0] =	sst s7  }
0x10: {  	[smem:$0x3FB1] =	sst s8  }
0x11: {  	[smem:$0x3FB2] =	sst s9;
	s0 =	simm.s32 @!p0 $0x0  }
0x12: {  	s1 =	sld [smem:$0x3F98];
	s0 =	simm.s32 @p0 $0x1  }
0x13: {  	[smem:$0x3FB3] =	sst s0;
	s0 =	simm.s32 @!p1 $0x0  }
0x14: {  	s2 =	sld [smem:$0x3F97];
	s0 =	simm.s32 @p1 $0x1  }
0x15: {  	[smem:$0x3FB4] =	sst s0;
	s0 =	simm.s32 @!p2 $0x0  }
0x16: {  	s3 =	sld [smem:$0x3FDB];
	s0 =	simm.s32 @p2 $0x1  }
0x17: {  	s4 =	simm.s32 $0x1BF5;
	[smem:$0x3FB6] =	sst s0  }
0x18: {  	s0 =	sld [smem:$0x3F99];
	_ =	swait.ge [sflag:s4], $0x0  }
0x19: {  	s7 =	sld [smem:$0x3F9A]  }
0x1a: {  	s8 =	sadd.s32 $0xFFFFE003, lr  }
0x1b: {  	s9 =	sadd.s32 $0xFFFFFEF7, lr;
	s5 =	simm.s32 $0xFFFFFFFF;
	p2 =	slt.u32 s8, $0xFFFFF086  }
0x1c: {  	p1 =	slt.u32 s9, $0xF7A;
	s5 =	simm.s32 @!p2 $0x0  }
0x1d: {  	s5 =	simm.s32 @p1 $0x1;
	p0 =	seq.s32 s7, s2  }
0x1e: {  	s7 =	smul.u32 @!p0 $0xF7A, s2;
	p2 =	seq.s32 @!p0 s5, $0x0  }
0x1f: {  	s9 =	smul.u32 $0xF7A, s1;
	s8 =	simm.s32 @!p0 $0x1BF5;
	p2 =	por !p2, p0  }
0x20: {  	[sflag:s8] =	ssyncset.s32 @!p0 $0xFFFFF086;
	s6 =	sadd.s32 @!p0 s3, s7;
	s7 =	simm.s32 @!p0 $0x108  }
0x21: {  	s3 =	sadd.s32 s3, s9;
	s6 =	sadd.s32 @!p0 $0x88, s6;
	s7 =	simm.s32 @p2 $0x1082  }
0x22: {  	[simem:s7], [sflag:s8] =	dma.local @!p0 [hbm:s6], $0xF7A  }
0x23: {  	s9 =	sor.u32 $0xD0000000, s2;
	s6 =	simm.s32 $0x108;
	_ =	swait.ge @!p0 [sflag:s8], $0x0  }
0x24: {  	s3 =	sadd.s32 $0x88, s3;
	s6 =	simm.s32 @!p1 $0x1082;
	[sflag:s4] =	ssyncset.s32 $0xFFFFF086  }
0x25: {  	[simem:s6], [sflag:s4] =	dma.local [hbm:s3], $0xF7A  }
0x26: {  	[smem:$0x3F9A] =	sst s1;
	(tag) =	ssettag s2;
	_ =	strace s9  }
0x27: {  	s1 =	sld [smem:$0x3FAA]  }
0x28: {  	s2 =	sld [smem:$0x3FAB]  }
0x29: {  	s4 =	sld [smem:$0x3FAD]  }
0x2a: {  	p0 =	seq.s32 s5, $0x0;
	s5 =	sld [smem:$0x3FAE]  }
0x2b: {  	s6 =	sld [smem:$0x3FAF]  }
0x2c: {  	s7 =	sld [smem:$0x3FB0]  }
0x2d: {  	s3 =	simm.s32 $0x108;
	s8 =	sld [smem:$0x3FB1]  }
0x2e: {  	s3 =	simm.s32 @!p0 $0x1082;
	s9 =	sld [smem:$0x3FB2]  }
0x2f: {  	lr =	sadd.s32 s0, s3;
	s0 =	sld [smem:$0x3FA9]  }
0x30: {  	s3 =	sld [smem:$0x3FAC]  }
0x31: {  	[smem:$0x3FB5] =	sst s10  }
0x32: {  	s10 =	sld [smem:$0x3FB3];
	_ =	sdelay $0x3  }
0x33: {  	p0 =	seq.s32 s10, $0x1;
	s10 =	sld [smem:$0x3FB5];
	_ =	sdelay $0x3  }
0x34: {  	[smem:$0x3FB5] =	sst s10  }
0x35: {  	s10 =	sld [smem:$0x3FB4];
	_ =	sdelay $0x3  }
0x36: {  	p1 =	seq.s32 s10, $0x1;
	s10 =	sld [smem:$0x3FB5];
	_ =	sdelay $0x3  }
0x37: {  	[smem:$0x3FB5] =	sst s10  }
0x38: {  	s10 =	sld [smem:$0x3FB6]  }
0x39: {  	_ = 	snop;
	(pc) =	sbr.ind lr, $3  }
0x3a: {  	_ = 	snop  }
0x3b: {  	_ = 	snop  }
0x3c: {  	p2 =	seq.s32 s10, $0x1;
	s10 =	sld [smem:$0x3FB5]  }
0x3d: {  	_ =	shalt  }
0x3e: {  	_ =	shalt  }
0x3f: {  	_ =	shalt  }
0x40: {  	_ =	shalt  }
0x41: {  	_ =	shalt  }
0x42: {  	_ =	shalt  }
0x43: {  	_ =	shalt  }
0x44: {  	_ =	shalt  }
0x45: {  	_ =	shalt  }
0x46: {  	_ =	shalt  }
0x47: {  	_ =	shalt  }
0x48: {  	_ =	shalt  }
0x49: {  	_ =	shalt  }
0x4a: {  	_ =	shalt  }
0x4b: {  	_ =	shalt  }
0x4c: {  	_ =	shalt  }
0x4d: {  	_ =	shalt  }
0x4e: {  	_ =	shalt  }
0x4f: {  	_ =	shalt  }
0x50: {  	_ =	shalt  }
0x51: {  	_ =	shalt  }
0x52: {  	_ =	shalt  }
0x53: {  	_ =	shalt  }
0x54: {  	_ =	shalt  }
0x55: {  	_ =	shalt  }
0x56: {  	_ =	shalt  }
0x57: {  	_ =	shalt  }
0x58: {  	_ =	shalt  }
0x59: {  	_ =	shalt  }
0x5a: {  	_ =	shalt  }
0x5b: {  	_ =	shalt  }
0x5c: {  	_ =	shalt  }
0x5d: {  	_ =	shalt  }
0x5e: {  	_ =	shalt  }
0x5f: {  	_ =	shalt  }
0x60: {  	_ =	shalt  }
0x61: {  	_ =	shalt  }
0x62: {  	_ =	shalt  }
0x63: {  	_ =	shalt  }
0x64: {  	_ =	shalt  }
0x65: {  	_ =	shalt  }
0x66: {  	_ =	shalt  }
0x67: {  	_ =	shalt  }
0x68: {  	_ =	shalt  }
0x69: {  	_ =	shalt  }
0x6a: {  	_ =	shalt  }
0x6b: {  	_ =	shalt  }
0x6c: {  	_ =	shalt  }
0x6d: {  	_ =	shalt  }
0x6e: {  	_ =	shalt  }
0x6f: {  	_ =	shalt  }
0x70: {  	_ =	shalt  }
0x71: {  	_ =	shalt  }
0x72: {  	_ =	shalt  }
0x73: {  	_ =	shalt  }
0x74: {  	_ =	shalt  }
0x75: {  	_ =	shalt  }
0x76: {  	_ =	shalt  }
0x77: {  	_ =	shalt  }
0x78: {  	_ =	shalt  }
0x79: {  	_ =	shalt  }
0x7a: {  	_ =	shalt  }
0x7b: {  	_ =	shalt  }
0x7c: {  	_ =	shalt  }
0x7d: {  	_ =	shalt  }
0x7e: {  	_ =	shalt  }
0x7f: {  	_ =	shalt  }
0x80: {  	_ =	shalt  }
0x81: {  	_ =	shalt  }
0x82: {  	_ =	shalt  }
0x83: {  	_ =	shalt  }
0x84: {  	_ =	shalt  }
0x85: {  	_ =	shalt  }
0x86: {  	_ =	shalt  }
0x87: {  	_ =	shalt  }
.Lfunc_end0:
.L_simem_size_0:
called_computation.2_lowered:
.L_overlay_start_0:
0x88: {  	s2 =	sld [smem:$0x3FD9]  }
0x89: {  	s3 =	sld [smem:$0x3FFE];
	_ =	sdelay $0x1  }
0x8a: {  	s1 =	srdreg.scid  }
0x8b: {  	s0 =	sand.u32 $0x1, s1  }
0x8c: {  	s14 =	sshll.u32 s0, $0xA;
	s2 =	sadd.s32 s3, s2  }
0x8d: {  	s2 =	sadd.s32 s2, s14  }
0x8e: {  	[smem:$0x3FC1] =	sst s2  }
0x8f: {  	_ = 	snop  }
0x90: {  	s2 =	sld [smem:$0x3FD0];
	_ =	sdelay $0x1  }
0x91: {  	s15 =	sld [smem:$0x3FC9]  }
0x92: {  	s5 =	simm.s32 $0xA;
	s6 =	simm.s32 $0x10;
	s4 =	sld [smem:$0x3FC8]  }
0x93: {  	[smem:s6], [sflag:s5] =	dma.local [hbm:s2], $0x1  }
0x94: {  	_ =	swait.eq [sflag:s5], $0x1  }
0x95: {  	[sflag:s5] =	ssyncset.done $0x0  }
0x96: {  	[sflag:s5] =	ssyncadd.s32 $0xFFFFFFFF  }
0x97: {  	s16 =	sld [smem:$0x11];
	(tm) =	ssettm $0x1  }
0x98: {  	s17 =	sld [smem:$0x3FFB];
	_ =	sdelay $0x3  }
0x99: {  	_ =	strace s17  }
0x9a: {  	s5 =	sld [smem:$0x3FFC];
	_ =	sdelay $0x3  }
0x9b: {  	_ =	strace s5  }
0x9c: {  	s5 =	sld [smem:$0x3FFD];
	_ =	sdelay $0x3  }
0x9d: {  	_ =	strace s5  }
0x9e: {  	_ =	strace $0x8FFFFFFF  }
0x9f: {  	s18 =	sld [smem:$0x3FDB];
	_ =	sdelay $0x1  }
0xa0: {  	s19 =	simm.s32 $_scs_section_size  }
0xa1: {  	s7 =	simm.s32 $_size__tile_overlayer_lowered;
	s8 =	simm.s32 $_tile_overlayer_lowered  }
0xa2: {  	s22 =	simm.s32 $0x1BFF;
	s21 =	sshll.u32 s8, $0x1;
	s5 =	sadd.s32 s19, s18  }
0xa3: {  	s9 =	simm.s32 $0x0;
	s20 =	sshll.u32 s7, $0x1;
	s7 =	sadd.s32 s21, s5  }
0xa4: {  	[timem:s9], [sflag:s22] =	dma.local [hbm:s7], s20  }
0xa5: {  	_ =	swait.ge [sflag:s22], s20  }
0xa6: {  	s6 =	ssub.s32 $0x0, s20;
	[sflag:s22] =	ssyncset.done $0x0  }
0xa7: {  	[sflag:s22] =	ssyncadd.s32 s6;
	_ =	sdelay $0x1  }
0xa8: {  	s23 =	simm.s32 $0x1B8B  }
0xa9: {  	_ =	swait.ge [sflag:s23], $0x1  }
0xaa: {  	[sflag:s23] =	ssyncset.done $0x0  }
0xab: {  	s25 =	simm.s32 $0x1B8E;
	s24 =	sld [smem:$0x3FFE];
	[sflag:s23] =	ssyncadd.s32 $0xFFFFFFFF  }
0xac: {  	s26 =	simm.s32 $execute0_lowered;
	[smem:$0x3FD2] =	sst s25  }
0xad: {  	s7 =	sshll.u32 s26, $0x1;
	_ =	strace $0x8000004C;
	[dreg:$0x1] =	wrdreg $0xFFFFFFFF  }
0xae: {  	s28 =	simm.s32 $_size_execute0_lowered;
	s5 =	sadd.s32 s5, s7;
	[dreg:$0x0] =	wrdreg $0x0  }
0xaf: {  	s7 =	sshll.u32 s28, $0x1;
	[dreg:$0x2] =	wrdreg s5  }
0xb0: {  	[dreg:$0x3] =	wrdreg s7  }
0xb1: {  	[dreg:$0x4] =	wrdreg $0xC0  }
0xb2: {  	_ =	task [dreg:s9], $0x5FFFF  }
0xb3: {  	[dreg:$0x1] =	wrdreg $0xFFFFFFFF  }
0xb4: {  	[dreg:$0x0] =	wrdreg $0x60  }
0xb5: {  	[dreg:$0x2] =	wrdreg s4  }
0xb6: {  	[dreg:$0x3] =	wrdreg s15  }
0xb7: {  	[dreg:$0x4] =	wrdreg s24  }
0xb8: {  	[dreg:$0x5] =	wrdreg s16  }
0xb9: {  	[dreg:$0x6] =	wrdreg $0x9  }
0xba: {  	_ =	task.clear_ibuf [dreg:s9], $0x7FFFF;
	_ =	strace $0x9000004C  }
0xbb: {  	s29 =	simm.s32 $0x9;
	_ =	strace $0x8000004E  }
0xbc: {  	_ =	swait.ge [sflag:s29], $0x1  }
0xbd: {  	[sflag:s29] =	ssyncadd.s32 $0xFFFFFFFF  }
0xbe: {  	_ =	strace $0x9000004E  }
0xbf: {  	_ =	sfence  }
0xc0: {  	s30 =	sld [smem:$0x0];
	_ =	sdelay $0x2  }
0xc1: {  	s31 =	sshll.u32 s1, $0xD;
	s1 =	sshrl.u32 s1, $0x2  }
0xc2: {  	s3 =	sand.u32 $0x4000, s31;
	s1 =	sadd.s32 s1, s30  }
0xc3: {  	s0 =	sor.u32 s3, s0;
	s1 =	sshll.u32 s1, $0x11  }
0xc4: {  	s0 =	sor.u32 s1, s0  }
0xc5: {  	s0 =	sadd.s32 $0x8F2B, s0  }
0xc6: {  	[sflag:s0] =	ssyncadd.remote.s32 $0x1  }
0xc7: {  	_ =	sfence.sel $0xFFFF  }
0xc8: {  	[dreg:$0x0] =	wrdreg $0xFFFFFFFF;
	(pc) =	sbr.abs _section_cstart, $3  }
0xc9: {  	[dreg:$0x1] =	wrdreg $0xFFFFFFFF  }
0xca: {  	_ =	task.clear_ibuf [dreg:s9], $0x2FFFF;
	_ =	strace $0x9FFFFFFF  }
0xcb: {  	(tm) =	ssettm $0x7FFFFFFF  }
tec
execute0_lowered:
.L_overlay_start_1:
0x0: {  	(tag) =	ssettag $0x1  }
0x1: {  	s6 =	rddreg [dreg:$0x0]  }
0x2: {  	s7 =	rddreg [dreg:$0x1]  }
0x3: {  	s3 =	rddreg [dreg:$0x2]  }
0x4: {  	s8 =	rddreg [dreg:$0x3]  }
0x5: {  	s0 =	rddreg [dreg:$0x4];
	s2 =	simm.s32 $0x0;
	s4 =	srdreg.scid  }
0x6: {  	s1 =	stileid.u32;
	s14 =	simm.s32 $0x80;
	s15 =	simm.s32 $0x400  }
0x7: {  	s16 =	simm.s32 $0x2;
	s17 =	simm.s32 $0x0;
	[smem:$0x7FF] =	sst s2  }
0x8: {  	s4 =	sand.u32 $0x1, s4;
	s5 =	sshll.u32 s1, $0x1;
	s12 =	sshrl.u32 s1, $0x2  }
0x9: {  	s3 =	sadd.s32 $0x3C00, s3;
	s5 =	sor.u32 s4, s5;
	s12 =	smul.u32 $0x14000, s12  }
0xa: {  	p0 =	sgt.u32 s1, $0x1;
	s4 =	ssub.s32 $0x2, s4;
	s9 =	smul.u32 $0x4E0, s5  }
0xb: {  	_ =	strace $0x8000004D;
	s10 =	sshrl.u32 s4, $0x1;
	s11 =	smul.u32 $0x9C0, s5  }
0xc: {  	s13 =	sshll.u32 s5, $0x7;
	s29 =	sor.u32 $0x9C0, s5;
	s10 =	ssub.s32 s4, s10  }
0xd: {  	s13 =	sand.u32 $0x380, s13;
	s30 =	sshll.u32 s29, $0x4;
	s4 =	sadd.s32 s6, s9  }
0xe: {  	s5 =	sadd.s32 s7, s11;
	s12 =	sor.u32 s12, s13;
	s6 =	sadd.s32 s6, s30  }
0xf: {  	s9 =	sshll.u32 s29, $0x5;
	s11 =	simm.s32 $0x7680;
	s13 =	simm.s32 $0x9E80  }
0x10: {  	s31 =	sshrl.u32 s12, $0x3;
	s7 =	sadd.s32 s7, s9;
	s9 =	smax.u32 s10, $0x1  }
0x11: {  	v0 =	vimm.f32 $0.0e+00;
	s10 =	simm.s32 $0x2700;
	s12 =	simm.s32 $0x1;
	s8 =	sadd.s32 s8, s31  }
.LBB2_1:
0x12: {  	[tilespmem:s2], [sflag:$0x1] =	stream.linear.gather [hbm4b:s4+s2], $0x2700, $0x38;
	[tilespmem:$0xC680] =	vst v63  }
0x13: {  	_ = 	snop  }
0x14: {  	v1 =	vimm.f32 @p0 $0.0e+00;
	[tilespmem:s10], [sflag:$0x1] =	stream.linear.gather [hbm4b:s5+s2], $0x4E00, $0x38;
	[tilespmem:$0xC680] =	vst v63  }
0x15: {  	v2 =	vimm.s32 @p0 $0x0;
	[tilespmem:$0x7500] =	vst @p0 v1  }
0x16: {  	[tilespmem:$0x7580] =	vst @p0 v2  }
0x17: {  	[tilespmem:$0x7600] =	vst @p0 v2  }
0x18: {  	[tilespmem:$0x7510] =	vst @p0 v1  }
0x19: {  	[tilespmem:$0x7590] =	vst @p0 v2  }
0x1a: {  	[tilespmem:$0x7610] =	vst @p0 v2  }
0x1b: {  	[tilespmem:$0x7520] =	vst @p0 v1  }
0x1c: {  	[tilespmem:$0x75A0] =	vst @p0 v2  }
0x1d: {  	[tilespmem:$0x7620] =	vst @p0 v2  }
0x1e: {  	[tilespmem:$0x7530] =	vst @p0 v1  }
0x1f: {  	[tilespmem:$0x75B0] =	vst @p0 v2  }
0x20: {  	[tilespmem:$0x7630] =	vst @p0 v2  }
0x21: {  	[tilespmem:$0x7540] =	vst @p0 v1  }
0x22: {  	[tilespmem:$0x75C0] =	vst @p0 v2  }
0x23: {  	[tilespmem:$0x7640] =	vst @p0 v2  }
0x24: {  	[tilespmem:$0x7550] =	vst @p0 v1  }
0x25: {  	[tilespmem:$0x75D0] =	vst @p0 v2  }
0x26: {  	[tilespmem:$0x7650] =	vst @p0 v2  }
0x27: {  	[tilespmem:$0x7560] =	vst @p0 v1  }
0x28: {  	[tilespmem:$0x75E0] =	vst @p0 v2  }
0x29: {  	[tilespmem:$0x7660] =	vst @p0 v2  }
0x2a: {  	[tilespmem:$0x7570] =	vst @p0 v1  }
0x2b: {  	[tilespmem:$0x75F0] =	vst @p0 v2  }
0x2c: {  	s18 =	simm.s32 @!p0 $0x0;
	s19 =	simm.s32 @!p0 $0x7500;
	[tilespmem:$0x7670] =	vst @p0 v2  }
0x2d: {  	[tilespmem:s19], [sflag:$0x1] =	stream.linear.gather @!p0 [hbm4b:s6+s18], $0x80, $0x38;
	[tilespmem:$0xC680] =	vst v63  }
0x2e: {  	s19 =	simm.s32 @!p0 $0x7580  }
0x2f: {  	[tilespmem:s19], [sflag:$0x1] =	stream.linear.gather @!p0 [hbm4b:s7+s18], $0x100, $0x38;
	[tilespmem:$0xC680] =	vst v63  }
0x30: {  	s18 =	simm.s32 @!p0 $0x1  }
0x31: {  	_ =	swait.ge @!p0 [sflag:s18], $0x80  }
0x32: {  	[sflag:s18] =	ssyncset.done @!p0 $0x0  }
0x33: {  	[sflag:s18] =	ssyncadd.s32 @!p0 $0xFFFFFF80  }
0x34: {  	_ =	swait.ge @!p0 [sflag:s18], $0x100  }
0x35: {  	[sflag:s18] =	ssyncset.done @!p0 $0x0  }
0x36: {  	[sflag:s18] =	ssyncadd.s32 @!p0 $0xFFFFFF00;
	s18 =	simm.s32 $0x9EC0  }
0x37: {  	[tilespmem:s11], [sflag:$0x1] =	stream.linear.gather [hbm4b:s3+s2], $0x2800, $0x38;
	[tilespmem:$0xC680] =	vst v63  }
0x38: {  	[tilespmem:s18+$0xFFFFFFC0] =	vst v0  }
0x39: {  	[tilespmem:s18+$0x30] =	vst v0  }
0x3a: {  	[tilespmem:s18+$0x20] =	vst v0  }
0x3b: {  	[tilespmem:s18+$0x10] =	vst v0  }
0x3c: {  	[tilespmem:s18+$0x0] =	vst v0  }
0x3d: {  	[tilespmem:s18+$0xFFFFFFF0] =	vst v0  }
0x3e: {  	s19 =	simm.s32 $0x0;
	[tilespmem:s18+$0xFFFFFFE0] =	vst v0  }
.LBB2_2:
0x3f: {  	s19 =	sadd.s32 $0x8, s19;
	[tilespmem:s18+$0xFFFFFFD0] =	vst v0;
	s18 =	sadd.s32 $0x80, s18  }
0x40: {  	[tilespmem:s18+$0xFFFFFFC0] =	vst v0;
	p1 =	slt.u32 s19, $0x278  }
0x41: {  	[tilespmem:s18+$0x30] =	vst v0  }
.Ltmp0:
0x42: {  	[tilespmem:s18+$0x20] =	vst v0;
	(pc) =	sbr.rel @p1 .LBB2_2-.Ltmp0, $4  }
0x43: {  	[tilespmem:s18+$0x10] =	vst v0  }
0x44: {  	[tilespmem:s18+$0x0] =	vst v0  }
0x45: {  	[tilespmem:s18+$0xFFFFFFF0] =	vst v0  }
0x46: {  	[tilespmem:s18+$0xFFFFFFE0] =	vst v0  }
0x47: {  	[tilespmem:s18+$0xFFFFFFD0] =	vst v0  }
0x48: {  	_ =	swait.ge [sflag:s12], $0x2700  }
0x49: {  	[sflag:s12] =	ssyncset.done $0x0  }
0x4a: {  	[sflag:s12] =	ssyncadd.s32 $0xFFFFD900  }
0x4b: {  	_ =	swait.ge [sflag:s12], $0x4E00  }
0x4c: {  	[sflag:s12] =	ssyncset.done $0x0  }
0x4d: {  	s18 =	simm.s32 $0x0;
	[sflag:s12] =	ssyncadd.s32 $0xFFFFB200  }
0x4e: {  	s19 =	sand.u32 $0x40, s18;
	s20 =	sand.u32 $0x7F00, s18;
	_ =	swait.ge [sflag:s12], $0x2800  }
0x4f: {  	s20 =	sadd.s32 $0x2700, s20;
	s21 =	sor.u32 $0x30, s19;
	[sflag:s12] =	ssyncset.done $0x0  }
0x50: {  	s22 =	sor.u32 s21, s20;
	[sflag:s12] =	ssyncadd.s32 $0xFFFFD800  }
0x51: {  	p1 =	por $0x0, $0x0;
	v1 =	vld [tilespmem:s22+$0x0]  }
0x52: {  	s24 =	simm.s32 $0x1;
	s31 =	sor.u32 $0x10, s19;
	s23 =	sor.u32 s19, s20  }
0x53: {  	s24 =	simm.s32 @!p1 $0x0;
	s19 =	sor.u32 $0x20, s19;
	s25 =	sor.u32 s31, s20;
	v2 =	vld [tilespmem:s23+$0x0]  }
0x54: {  	s24 =	sshll.u32 s24, $0x6;
	s20 =	sor.u32 s19, s20;
	v3 =	vld [tilespmem:s25+$0x0]  }
0x55: {  	s26 =	sand.u32 $0x3F80, s18;
	v5 =	vld [tilespmem:s20+$0x0];
	s25 =	sadd.s32 $0x0, s24  }
0x56: {  	s21 =	sor.u32 s21, s26;
	v7 =	vld [tilespmem:s18+$0x0];
	s23 =	sadd.s32 $0x30, s25  }
0x57: {  	v9 =	vld [tilespmem:s21+$0x0];
	s23 =	sor.u32 $0x80, s23  }
0x58: {  	v8 =	vld [tilespmem:s23+$0x2700]  }
0x59: {  	s28 =	sor.u32 s31, s26;
	v1 =	vld.idx.msk [tilespmem:v1+s11+$0x0], $0xffff  }
0x5a: {  	v6 =	vld [tilespmem:s28+$0x0]  }
0x5b: {  	v10 =	vld.idx.msk [tilespmem:v2+s11+$0x0], $0xffff  }
0x5c: {  	v4 =	vld.idx.msk [tilespmem:v3+s11+$0x0], $0xffff  }
0x5d: {  	s30 =	sor.u32 s19, s26;
	s29 =	sadd.s32 $0x10, s25;
	v3 =	vld.idx.msk [tilespmem:v5+s11+$0x0], $0xffff  }
0x5e: {  	p2 =	por $0x1, $0x1;
	s19 =	simm.s32 $0x0;
	s22 =	sor.u32 $0x80, s29;
	v5 =	vld [tilespmem:s30+$0x0];
	v9 =	vmul.f32 v1, v9  }
0x5f: {  	s20 =	simm.s32 $0x80;
	s21 =	simm.s32 $0x40;
	s31 =	sadd.s32 $0x20, s25;
	v2 =	vld [tilespmem:s22+$0x2700]  }
0x60: {  	s24 =	sor.u32 $0x80, s31;
	s23 =	sor.u32 $0x80, s25;
	s22 =	simm.s32 $0x40;
	v1 =	vmul.f32 v10, v7;
	[tilespmem:v8+s13+$0x0] =	vst.idx.add.f32.msk $0xffff, v9  }
.LBB2_4:
0x61: {  	s25 =	sand.u32 $0x40, s21;
	s26 =	sand.u32 $0x7F00, s20;
	s19 =	sadd.s32 $0x4, s19;
	v7 =	vld [tilespmem:s24+$0x2700]  }
0x62: {  	s24 =	sadd.s32 $0x2700, s26;
	s26 =	sor.u32 $0x30, s25;
	p3 =	slt.u32 s19, $0x26C;
	v8 =	vld [tilespmem:s23+$0x2700];
	v4 =	vmul.f32 v4, v6  }
0x63: {  	s28 =	sor.u32 $0x10, s25;
	s29 =	sor.u32 $0x20, s25;
	v9 =	vld [tilespmem:s22+$0x0];
	s23 =	sor.u32 s26, s24;
	v3 =	vmul.f32 v3, v5  }
0x64: {  	s25 =	sor.u32 s25, s24;
	s30 =	sor.u32 s28, s24;
	s24 =	sor.u32 s29, s24;
	v5 =	vld [tilespmem:s23+$0x0]  }
0x65: {  	p1 =	por !p1, !p1;
	s23 =	simm.s32 $0x1;
	v6 =	vld [tilespmem:s25+$0x0]  }
0x66: {  	s23 =	simm.s32 @!p1 $0x0;
	v10 =	vld [tilespmem:s30+$0x0]  }
0x67: {  	s23 =	sshll.u32 s23, $0x6;
	v11 =	vld [tilespmem:s24+$0x0]  }
0x68: {  	s23 =	sadd.s32 s23, s20;
	[tilespmem:v2+s13+$0x0] =	vst.idx.add.f32.msk $0xffff, v4  }
0x69: {  	s24 =	sadd.s32 $0x10, s23;
	s25 =	sadd.s32 $0x20, s23;
	s30 =	sadd.s32 $0x30, s23;
	[tilespmem:v7+s13+$0x0] =	vst.idx.add.f32.msk $0xffff, v3  }
0x6a: {  	s31 =	sor.u32 $0x80, s24;
	s24 =	sor.u32 $0x80, s25;
	s25 =	sor.u32 $0x80, s30;
	[tilespmem:v8+s13+$0x0] =	vst.idx.add.f32.msk $0xffff, v1  }
0x6b: {  	s23 =	sor.u32 $0x80, s23;
	s30 =	sand.u32 $0x3F80, s21;
	v7 =	vld [tilespmem:s25+$0x2700]  }
0x6c: {  	s26 =	sor.u32 s26, s30;
	s25 =	sor.u32 s28, s30;
	s28 =	sor.u32 s29, s30;
	v1 =	vld.idx.msk [tilespmem:v5+s11+$0x0], $0xffff  }
0x6d: {  	v2 =	vld [tilespmem:s26+$0x0]  }
0x6e: {  	v8 =	vld.idx.msk [tilespmem:v6+s11+$0x0], $0xffff  }
0x6f: {  	v4 =	vld.idx.msk [tilespmem:v10+s11+$0x0], $0xffff  }
.Ltmp1:
0x70: {  	v3 =	vld.idx.msk [tilespmem:v11+s11+$0x0], $0xffff;
	(pc) =	sbr.rel @p3 .LBB2_4-.Ltmp1, $4  }
0x71: {  	v6 =	vld [tilespmem:s25+$0x0]  }
0x72: {  	v5 =	vld [tilespmem:s28+$0x0];
	v10 =	vmul.f32 v1, v2  }
0x73: {  	v2 =	vld [tilespmem:s31+$0x2700]  }
0x74: {  	s22 =	sadd.s32 $0x40, s22;
	s20 =	sadd.s32 $0x80, s20;
	s21 =	sadd.s32 $0x40, s21;
	v1 =	vmul.f32 v8, v9;
	[tilespmem:v7+s13+$0x0] =	vst.idx.add.f32.msk $0xffff, v10  }
0x75: {  	v7 =	vld [tilespmem:s24+$0x2700]  }
0x76: {  	v8 =	vld [tilespmem:s23+$0x2700];
	_ =	sdelay $0x3  }
0x77: {  	v4 =	vmul.f32 v4, v6  }
0x78: {  	v3 =	vmul.f32 v3, v5  }
0x79: {  	[tilespmem:v2+s13+$0x0] =	vst.idx.add.f32.msk $0xffff, v4  }
0x7a: {  	[tilespmem:v7+s13+$0x0] =	vst.idx.add.f32.msk $0xffff, v3  }
0x7b: {  	[tilespmem:v8+s13+$0x0] =	vst.idx.add.f32.msk $0xffff, v1  }
.LBB2_6:
0x7c: {  	v1 =	vld [tilespmem:s18+$0x7580]  }
0x7d: {  	v2 =	vld [tilespmem:s18+$0x7590]  }
0x7e: {  	v3 =	vld [tilespmem:s18+$0x7500]  }
0x7f: {  	v4 =	vld [tilespmem:s18+$0x7600]  }
0x80: {  	v5 =	vld [tilespmem:s18+$0x75A0]  }
0x81: {  	v6 =	vld [tilespmem:s18+$0x7510]  }
0x82: {  	v7 =	vld [tilespmem:s18+$0x75B0]  }
0x83: {  	v8 =	vld [tilespmem:s18+$0x7610]  }
0x84: {  	v9 =	vld [tilespmem:s18+$0x7520]  }
0x85: {  	v10 =	vld [tilespmem:s18+$0x7620]  }
0x86: {  	v11 =	vld [tilespmem:s18+$0x7530]  }
0x87: {  	v12 =	vld [tilespmem:s18+$0x7630]  }
0x88: {  	v1 =	vld.idx.msk [tilespmem:v1+s11+$0x0], $0xffff  }
0x89: {  	v2 =	vld.idx.msk [tilespmem:v2+s11+$0x0], $0xffff  }
0x8a: {  	v5 =	vld.idx.msk [tilespmem:v5+s11+$0x0], $0xffff  }
0x8b: {  	v7 =	vld.idx.msk [tilespmem:v7+s11+$0x0], $0xffff;
	_ =	sdelay $0x1  }
0x8c: {  	p1 =	por p2, p2;
	v1 =	vmul.f32 v1, v3  }
.Ltmp2:
0x8d: {  	v2 =	vmul.f32 v2, v6;
	(pc) =	sbr.rel @p1 .LBB2_6-.Ltmp2, $4  }
0x8e: {  	[tilespmem:v4+s13+$0x0] =	vst.idx.add.f32.msk $0xffff, v1;
	v1 =	vmul.f32 v5, v9  }
0x8f: {  	[tilespmem:v8+s13+$0x0] =	vst.idx.add.f32.msk $0xffff, v2;
	v2 =	vmul.f32 v7, v11  }
0x90: {  	[tilespmem:v10+s13+$0x0] =	vst.idx.add.f32.msk $0xffff, v1  }
0x91: {  	s18 =	simm.s32 $0x40;
	p2 =	por $0x0, $0x0;
	[tilespmem:v12+s13+$0x0] =	vst.idx.add.f32.msk $0xffff, v2  }
0x92: {  	s17 =	sadd.s32 $0x1, s17  }
0x93: {  	p1 =	sne.s32 s17, s9  }
.Ltmp3:
0x94: {  	_ = 	snop;
	(pc) =	sbr.rel @p1 .LBB2_1-.Ltmp3, $4  }
0x95: {  	[hbm4b:s8+s14] =	stream.strided.scatter [tilespmem:s13], [sflag:$0x2], $0x2800, s15, s14, $0x38;
	[tilespmem:$0xC680] =	vst v63  }
0x96: {  	_ =	swait.ge [sflag:s16], $0x2800  }
0x97: {  	[sflag:s16] =	ssyncset.done $0x0  }
0x98: {  	[sflag:s16] =	ssyncadd.s32 $0xFFFFD800  }
0x99: {  	_ =	sfence.sel $0x180000  }
0x9a: {  	[bflag:$0x0] =	sbarrier.arrive $0xFFFF  }
0x9b: {  	p0 =	sne.s32 s1, $0x0;
	_ =	strace $0x9000004D  }
0x9c: {  	s0 =	sadd.s32 @!p0 $0x100000, s0;
	[bflag:$0x2] =	sbarrier.arrive $0xFFFF  }
0x9d: {  	[sflag:s0] =	ssyncadd.tile.s32 @!p0 $0x1;
	_ =	shalt  }
.Lfunc_end2:
_tile_overlayer_lowered:
.L_overlay_start_2:
0x9e: {  	(tag) =	ssettag $0x2  }
0x9f: {  	s0 =	rddreg [dreg:$0x0];
	s2 =	stileid.u32  }
0xa0: {  	s1 =	rddreg [dreg:$0x1];
	p0 =	sne.s32 s2, $0x0  }
0xa1: {  	s3 =	rddreg [dreg:$0x2];
	[bflag:$0x3] =	sbarrier.arrive $0xFFFF;
	s2 =	simm.s32 @!p0 $0x1C02  }
0xa2: {  	[timem:s3], [sflag:s2] =	dma.local @!p0 [hbm:s0], s1  }
0xa3: {  	s0 =	simm.s32 @!p0 $0x2  }
0xa4: {  	_ =	swait.ge @!p0 [sflag:s0], s1  }
0xa5: {  	s1 =	ssub.s32 @!p0 $0x0, s1;
	[sflag:s0] =	ssyncset.done @!p0 $0x0  }
0xa6: {  	[sflag:s0] =	ssyncadd.s32 @!p0 s1  }
0xa7: {  	[bflag:$0x3] =	sbarrier.arrive $0xFFFF  }
0xa8: {  	_ =	shalt  }

</sc_bundles>
